<compile_context>
chip_gen: v7x
topology: tpu7x:2x2x1
jax: 0.10.2.dev20260603
libtpu: 0.0.44.dev20260713+nightly
codegen_flags: <defaults>
</compile_context>

<pallas_src>
import jax
import jax.numpy as jnp
from jax.experimental import pallas as pl
from jax.experimental.pallas import tpu as pltpu
from jax.experimental.pallas import tpu_sc as plsc

_LP = 256
_GATHER_WINDOW = 128
_T = 4096
_NBUF = 6
_C = 4
_NQ = 4


def _sc_gather(emb, idx2d):
    D = emb.shape[1]
    mesh = plsc.VectorSubcoreMesh(core_axis_name="c", subcore_axis_name="s")

    @pl.kernel(out_type=jax.ShapeDtypeStruct((_LP, D), emb.dtype), mesh=mesh)
    def gather_kernel(emb_hbm, idx_hbm, out_hbm):
        def body(i_vmem, o_vmem):
            pltpu.sync_copy(emb_hbm.at[i_vmem.at[0]], o_vmem)

        pltpu.emit_pipeline(
            body,
            grid=(_LP // _GATHER_WINDOW,),
            in_specs=[pl.BlockSpec((1, _GATHER_WINDOW), lambda i: (0, i))],
            out_specs=[pl.BlockSpec((_GATHER_WINDOW, D), lambda i: (i, 0))],
            core_axis_name="s",
            dimension_semantics=(pltpu.PARALLEL,),
        )(idx_hbm, out_hbm)

    return gather_kernel(emb, idx2d)


def _mlp_logits_lse(gathered, L, W1, b1r, W2, b2r):
    LP, D = gathered.shape
    H = W1.shape[1]
    V = W2.shape[1]
    T = _T
    nt_full = V // T
    tail = V - nt_full * T
    nt = nt_full + (1 if tail else 0)
    nt_sub = pl.cdiv(nt, _C)
    rq = H // _NQ

    def clamp_idx(c, j):
        return (0, jnp.minimum(c * nt_sub + j, nt - 1))

    def kfn(g_ref, w1_ref, b1_ref, w2_hbm, w2t_ref, b2_ref,
            out_ref, m_out, s_out,
            buf, h_ref, m_ref, s_ref, sems):
        c = pl.program_id(0)
        j = pl.program_id(1)
        g = c * nt_sub + j
        hi = jnp.minimum(nt_full, (c + 1) * nt_sub)

        def sub_dma(gg, q):
            return pltpu.make_async_copy(
                w2_hbm.at[pl.ds(q * rq, rq), pl.ds(gg * T, T)],
                buf.at[jax.lax.rem(gg, _NBUF), pl.ds(q * rq, rq)],
                sems.at[q, jax.lax.rem(gg, _NBUF)])

        def issue(gg):
            @pl.when(gg < hi)
            def _():
                for q in range(_NQ):
                    sub_dma(gg, q).start()

        @pl.when(j == 0)
        def _():
            lane = jax.lax.broadcasted_iota(jnp.int32, (1, LP), 1)
            maskr = (lane < L).astype(jnp.float32)
            embr = jnp.dot(maskr, g_ref[...],
                           preferred_element_type=jnp.float32)
            hr = jnp.dot(embr, w1_ref[...],
                         preferred_element_type=jnp.float32) + b1_ref[...]
            hr = jnp.maximum(hr, 0.0)
            h_ref[...] = jnp.transpose(hr, (1, 0))
            m_ref[...] = jnp.full((1, 1), -jnp.inf, jnp.float32)
            s_ref[...] = jnp.zeros((1, 1), jnp.float32)
            for p in range(_NBUF - 1):
                issue(c * nt_sub + p)

        issue(g + _NBUF - 1)

        @pl.when(g < nt_full)
        def _():
            for q in range(_NQ):
                sub_dma(g, q).wait()

        def compute_tile(read, is_tail):
            acc = None
            for k8 in range(H // 8):
                part = h_ref[k8 * 8:(k8 + 1) * 8, :] * read(k8)
                acc = part if acc is None else acc + part
            t = jnp.sum(acc, axis=0, keepdims=True) + b2_ref[...]
            if is_tail:
                col = g * T + jax.lax.broadcasted_iota(jnp.int32, (1, T), 1)
                t = jnp.where(col < V, t, -jnp.inf)
            out_ref[...] = t

            m_old = m_ref[...]
            tmax = jnp.max(t, axis=1, keepdims=True)
            m_new = jnp.maximum(m_old, tmax)
            s_ref[...] = (s_ref[...] * jnp.exp(m_old - m_new)
                          + jnp.sum(jnp.exp(t - m_new), axis=1,
                                    keepdims=True))
            m_ref[...] = m_new

        @pl.when(g < nt_full)
        def _():
            b = jax.lax.rem(g, _NBUF)
            compute_tile(lambda k8: buf[b, k8 * 8:(k8 + 1) * 8, :], False)

        if tail:
            @pl.when(g == nt_full)
            def _():
                compute_tile(lambda k8: w2t_ref[k8 * 8:(k8 + 1) * 8, :],
                             True)

        @pl.when(j == nt_sub - 1)
        def _():
            m_out[...] = jnp.broadcast_to(m_ref[...], (8, 128))
            s_out[...] = jnp.broadcast_to(s_ref[...], (8, 128))

    return pl.pallas_call(
        kfn,
        grid=(_C, nt_sub),
        in_specs=[
            pl.BlockSpec((LP, D), lambda c, j: (0, 0)),
            pl.BlockSpec((D, H), lambda c, j: (0, 0)),
            pl.BlockSpec((1, H), lambda c, j: (0, 0)),
            pl.BlockSpec(memory_space=pl.ANY),
            pl.BlockSpec((H, T), lambda c, j: (0, nt - 1)),
            pl.BlockSpec((1, T), clamp_idx),
        ],
        out_specs=[
            pl.BlockSpec((1, T), clamp_idx),
            pl.BlockSpec((8, 128), lambda c, j: (c, 0)),
            pl.BlockSpec((8, 128), lambda c, j: (c, 0)),
        ],
        out_shape=[
            jax.ShapeDtypeStruct((1, V), jnp.float32),
            jax.ShapeDtypeStruct((_C * 8, 128), jnp.float32),
            jax.ShapeDtypeStruct((_C * 8, 128), jnp.float32),
        ],
        scratch_shapes=[
            pltpu.VMEM((_NBUF, H, T), jnp.float32),
            pltpu.VMEM((H, 1), jnp.float32),
            pltpu.VMEM((1, 1), jnp.float32),
            pltpu.VMEM((1, 1), jnp.float32),
            pltpu.SemaphoreType.DMA((_NQ, _NBUF)),
        ],
        compiler_params=pltpu.CompilerParams(
            dimension_semantics=("parallel", "arbitrary")),
    )(gathered, W1, b1r, W2, W2, b2r)


def _subtract_lse(logits, m_part, s_part):
    V = logits.shape[1]
    T = _T
    nt = pl.cdiv(V, T)

    def kfn(l_ref, m_ref, s_ref, o_ref):
        m = m_ref[...]
        s = s_ref[...]
        mg = jnp.max(m)
        sg = jnp.sum(s * jnp.exp(m - mg)) * (1.0 / 1024.0)
        lse = mg + jnp.log(sg)
        o_ref[...] = l_ref[...] - lse

    return pl.pallas_call(
        kfn,
        grid=(nt,),
        in_specs=[
            pl.BlockSpec((1, T), lambda j: (0, j)),
            pl.BlockSpec((_C * 8, 128), lambda j: (0, 0)),
            pl.BlockSpec((_C * 8, 128), lambda j: (0, 0)),
        ],
        out_specs=pl.BlockSpec((1, T), lambda j: (0, j)),
        out_shape=jax.ShapeDtypeStruct((1, V), jnp.float32),
        input_output_aliases={0: 0},
        compiler_params=pltpu.CompilerParams(
            dimension_semantics=("parallel",)),
    )(logits, m_part, s_part)


def kernel(inputs, emb, W1, b1, W2, b2):
    L = inputs.shape[0]
    H = W1.shape[1]
    V = W2.shape[1]
    idx = jnp.zeros((_LP,), jnp.int32).at[:L].set(inputs.astype(jnp.int32))
    gathered = _sc_gather(emb, idx.reshape(1, _LP))
    logits, m_part, s_part = _mlp_logits_lse(gathered, L, W1,
                                             b1.reshape(1, H),
                                             W2, b2.reshape(1, V))
    return _subtract_lse(logits, m_part, s_part)

# --- scband reference (transcript-rebuilt; emitter-appended) ---
"""Pipeline reference for scband-cbow-86114094285413 (READ-ONLY COPY).

The authoritative reference and input builder live on the scoring server;
editing this copy changes nothing except your own understanding.
"""

import jax, jax.numpy as jnp
import numpy as np

V = 1000000
D = 128
H = 256
L = 200

def setup_inputs(seed: int = 0) -> dict:
    key = jax.random.key(seed)
    k_idx, k_emb, k_w1, k_b1, k_w2, k_b2 = jax.random.split(key, 6)
    inputs = jax.random.randint(k_idx, (L,), 0, V, dtype=jnp.int64 if jax.config.jax_enable_x64 else jnp.int32)
    emb = jax.random.normal(k_emb, (V, D), dtype=jnp.float32)
    W1 = jax.random.normal(k_w1, (D, H), dtype=jnp.float32) * (1.0 / np.sqrt(D))
    b1 = jax.random.normal(k_b1, (H,), dtype=jnp.float32) * 0.01
    W2 = jax.random.normal(k_w2, (H, V), dtype=jnp.float32) * (1.0 / np.sqrt(H))
    b2 = jax.random.normal(k_b2, (V,), dtype=jnp.float32) * 0.01
    return {"inputs": inputs, "emb": emb, "W1": W1, "b1": b1, "W2": W2, "b2": b2}

def reference(inputs, emb, W1, b1, W2, b2):
    # embeds = sum(self.embeddings(inputs)).view(1, -1)
    gathered = jnp.take(emb, inputs, axis=0)          # [L, D]
    embeds = jnp.sum(gathered, axis=0).reshape(1, -1)  # [1, D]
    # linear1 + ReLU
    out = embeds @ W1 + b1
    out = jnp.maximum(out, 0.0)
    # linear2 + LogSoftmax(dim=-1)
    out = out @ W2 + b2                                # [1, V]
    out = out - jax.scipy.special.logsumexp(out, axis=-1, keepdims=True)
    return out

if __name__ == "__main__":
    import jax
    _d = setup_inputs()
    print(jax.jit(kernel)(*tuple(_d.values())))

</pallas_src>

<mosaic_0001>
#map = affine_map<(d0, d1) -> (0, 0)>
module attributes {stable_mosaic.version = 14 : i64} {
  func.func @gather_kernel(%arg0: i32, %arg1: i32, %arg2: memref<1000000x128xf32, #tpu.memory_space<hbm>>, %arg3: memref<1x256xi32, #tpu.memory_space<hbm>>, %arg4: memref<256x128xf32, #tpu.memory_space<hbm>>) attributes {dimension_semantics = [#tpu.dimension_semantics<core_parallel>, #tpu.dimension_semantics<subcore_parallel>], iteration_bounds = array<i64: 2, 16>, scalar_prefetch = 0 : i64, scratch_operands = 0 : i64, tpu.core_type = #tpu.core_type<sc_vector_subcore>, window_params = [{transform_indices = #map}, {transform_indices = #map}, {transform_indices = #map}]} {
    %lt3A = arith.constant 2 : i32
    %lt3A_0 = arith.cmpi slt, %arg1, %lt3A : i32
    %jit3A = arith.constant 1 : i32
    %jit3A_1 = arith.constant 0 : i32
    %select_n3A = arith.select %lt3A_0, %jit3A, %jit3A_1 : i32
    %lt3A_2 = arith.constant 2 : i32
    %lt3A_3 = arith.cmpi slt, %arg1, %lt3A_2 : i32
    %mul3A = arith.muli %arg1, %select_n3A : i32
    %mul3A_4 = arith.constant 0 : i32
    %mul3A_5 = arith.muli %arg1, %mul3A_4 : i32
    %add3A = arith.constant 2 : i32
    %add3A_6 = arith.addi %mul3A_5, %add3A : i32
    %select_n3A_7 = arith.select %lt3A_3, %mul3A, %add3A_6 : i32
    %mul3A_8 = arith.constant 1 : i32
    %mul3A_9 = arith.muli %mul3A_8, %select_n3A : i32
    "tpu.region"() ({
      %run_scoped3A = memref.alloca() : memref<2x1x128xi32, #tpu.memory_space<vmem>>
      %run_scoped3A_10 = tpu.sem_alloc : memref<2x!tpu.dma_semaphore, #tpu.memory_space<semaphore_mem>>
      %run_scoped3A_11 = memref.alloca() : memref<2x128x128xf32, #tpu.memory_space<vmem>>
      %run_scoped3A_12 = tpu.sem_alloc : memref<2x!tpu.dma_semaphore, #tpu.memory_space<semaphore_mem>>
      %gt3A = arith.constant 0 : i32
      %gt3A_13 = arith.cmpi sgt, %mul3A_9, %gt3A : i32
      %convert_element_type3A = arith.extui %gt3A_13 : i1 to i32
      %cond3A = arith.constant 0 : i32
      %cond3A_14 = arith.cmpi ne, %convert_element_type3A, %cond3A : i32
      scf.if %cond3A_14 {
        %mul3A_15 = arith.constant 1 : i32
        %mul3A_16 = arith.muli %mul3A_15, %select_n3A : i32
        %sub3A = arith.constant 1 : i32
        %sub3A_17 = arith.subi %mul3A_16, %sub3A : i32
        %eq3A = arith.constant 0 : i32
        %eq3A_18 = arith.cmpi eq, %sub3A_17, %eq3A : i32
        %add3A_19 = arith.constant 0 : i32
        %add3A_20 = arith.addi %add3A_19, %select_n3A_7 : i32
        %select_n3A_21 = arith.constant true
        %select_n3A_22 = arith.constant 0 : i32
        %select_n3A_23 = arith.constant -1 : i32
        %select_n3A_24 = arith.select %select_n3A_21, %select_n3A_23, %select_n3A_22 : i32
        %eq3A_25 = arith.constant -1 : i32
        %eq3A_26 = arith.cmpi eq, %select_n3A_24, %eq3A_25 : i32
        %sub3A_27 = arith.constant 1 : i32
        %sub3A_28 = arith.subi %select_n3A, %sub3A_27 : i32
        %select_n3A_29 = arith.select %eq3A_26, %sub3A_28, %select_n3A_24 : i32
        %add3A_30 = arith.addi %select_n3A_29, %select_n3A_7 : i32
        %select_n3A_31 = arith.constant true
        %select_n3A_32 = arith.constant 0 : i32
        %select_n3A_33 = arith.constant 1 : i32
        %select_n3A_34 = arith.select %select_n3A_31, %select_n3A_33, %select_n3A_32 : i32
        %eq3A_35 = arith.cmpi eq, %select_n3A_34, %select_n3A : i32
        %select_n3A_36 = arith.constant 0 : i32
        %select_n3A_37 = arith.select %eq3A_35, %select_n3A_36, %select_n3A_34 : i32
        %add3A_38 = arith.addi %select_n3A_37, %select_n3A_7 : i32
        %add3A_39 = arith.constant 1 : i32
        %add3A_40 = arith.addi %select_n3A_37, %add3A_39 : i32
        %select_n3A_41 = arith.constant true
        %select_n3A_42 = arith.select %select_n3A_41, %add3A_40, %select_n3A_37 : i32
        %eq3A_43 = arith.cmpi eq, %select_n3A_42, %select_n3A : i32
        %select_n3A_44 = arith.constant 0 : i32
        %select_n3A_45 = arith.select %eq3A_43, %select_n3A_44, %select_n3A_42 : i32
        %add3A_46 = arith.addi %select_n3A_45, %select_n3A_7 : i32
        "tpu.trace_start"() <{level = 10 : i32, message = "ep_initialize_0"}> : () -> ()
        %rem3A = arith.constant 0 : i32
        %rem3A_47 = arith.constant 2 : i32
        %rem3A_48 = arith.remui %rem3A, %rem3A_47 : i32
        %mul3A_49 = arith.constant 128 : i32
        %mul3A_50 = arith.muli %mul3A_49, %add3A_20 : i32
        %dma_start3A = arith.constant 0 : i32
        %dma_start3A_51 = arith.constant 0 : i32
        %dma_start3A_52 = tpu.memref_slice %run_scoped3A[%rem3A_48, %dma_start3A, %dma_start3A_51] : memref<2x1x128xi32, #tpu.memory_space<vmem>> -> memref<1x1x128xi32, #tpu.memory_space<vmem>>
        %dma_start3A_53 = tpu.memref_squeeze %dma_start3A_52 : memref<1x1x128xi32, #tpu.memory_space<vmem>> -> memref<1x128xi32, #tpu.memory_space<vmem>>
        %dma_start3A_54 = arith.constant 0 : i32
        %dma_start3A_55 = tpu.memref_slice %arg3[%dma_start3A_54, %mul3A_50] : memref<1x256xi32, #tpu.memory_space<hbm>> -> memref<1x128xi32, #tpu.memory_space<hbm>>
        %dma_start3A_56 = tpu.memref_slice %run_scoped3A_10[%rem3A_48] : memref<2x!tpu.dma_semaphore, #tpu.memory_space<semaphore_mem>> -> memref<1x!tpu.dma_semaphore, #tpu.memory_space<semaphore_mem>>
        %dma_start3A_57 = tpu.memref_squeeze %dma_start3A_56 : memref<1x!tpu.dma_semaphore, #tpu.memory_space<semaphore_mem>> -> memref<!tpu.dma_semaphore, #tpu.memory_space<semaphore_mem>>
        %dma_start3A_58 = arith.constant 0 : i32
        %dma_start3A_59 = arith.constant 0 : i32
        %dma_start3A_60 = tpu.memref_slice %run_scoped3A[%rem3A_48, %dma_start3A_58, %dma_start3A_59] : memref<2x1x128xi32, #tpu.memory_space<vmem>> -> memref<1x1x128xi32, #tpu.memory_space<vmem>>
        %dma_start3A_61 = tpu.memref_squeeze %dma_start3A_60 : memref<1x1x128xi32, #tpu.memory_space<vmem>> -> memref<1x128xi32, #tpu.memory_space<vmem>>
        %dma_start3A_62 = arith.constant 0 : i32
        %dma_start3A_63 = tpu.memref_slice %arg3[%dma_start3A_62, %mul3A_50] : memref<1x256xi32, #tpu.memory_space<hbm>> -> memref<1x128xi32, #tpu.memory_space<hbm>>
        tpu.enqueue_dma source(%dma_start3A_63 : memref<1x128xi32, #tpu.memory_space<hbm>>) target(%dma_start3A_61 : memref<1x128xi32, #tpu.memory_space<vmem>>) target_semaphore(%dma_start3A_57 : memref<!tpu.dma_semaphore, #tpu.memory_space<semaphore_mem>>)
        %add3A_64 = arith.constant 0 : i32
        %add3A_65 = arith.constant 1 : i32
        %add3A_66 = arith.addi %add3A_64, %add3A_65 : i32
        %select_n3A_67 = arith.constant true
        %select_n3A_68 = arith.constant 0 : i32
        %select_n3A_69 = arith.select %select_n3A_67, %add3A_66, %select_n3A_68 : i32
        %while3A = arith.constant 0 : i32
        %while3A_70 = arith.constant 0 : i32
        %while3A_71 = arith.constant 0 : i32
        %while3A_72 = arith.constant 0 : i32
        %while3A_73 = arith.constant 0 : i32
        "tpu.trace_stop"() : () -> ()
        %while3A_74 = arith.subi %mul3A_9, %while3A : i32
        %while3A_75 = arith.addi %while3A, %while3A_74 : i32
        %while3A_76 = arith.constant 1 : i32
        %while3A_77 = arith.divsi %while3A_74, %while3A_76 : i32
        %while3A_78 = arith.muli %while3A_77, %while3A_76 : i32
        %while3A_79 = arith.addi %while3A, %while3A_78 : i32
        %while3A_80 = arith.constant 1 : i32
        %while3A_81:5 = scf.for %while3A_135 = %while3A to %while3A_79 step %while3A_80 iter_args(%while3A_136 = %select_n3A_69, %while3A_137 = %while3A_70, %while3A_138 = %while3A_71, %while3A_139 = %while3A_72, %while3A_140 = %while3A_73) -> (i32, i32, i32, i32, i32)  : i32 {
          %mul3A_141 = arith.constant 1 : i32
          %mul3A_142 = arith.muli %mul3A_141, %select_n3A : i32
          %eq3A_143 = arith.constant 0 : i32
          %eq3A_144 = arith.cmpi eq, %while3A_135, %eq3A_143 : i32
          %sub3A_145 = arith.constant 1 : i32
          %sub3A_146 = arith.subi %mul3A_142, %sub3A_145 : i32
          %eq3A_147 = arith.cmpi eq, %while3A_135, %sub3A_146 : i32
          %add3A_148 = arith.addi %while3A_140, %select_n3A_7 : i32
          %sub3A_149 = arith.constant 1 : i32
          %sub3A_150 = arith.subi %while3A_140, %sub3A_149 : i32
          %select_n3A_151 = arith.constant true
          %select_n3A_152 = arith.select %select_n3A_151, %sub3A_150, %while3A_140 : i32
          %eq3A_153 = arith.constant -1 : i32
          %eq3A_154 = arith.cmpi eq, %select_n3A_152, %eq3A_153 : i32
          %sub3A_155 = arith.constant 1 : i32
          %sub3A_156 = arith.subi %select_n3A, %sub3A_155 : i32
          %select_n3A_157 = arith.select %eq3A_154, %sub3A_156, %select_n3A_152 : i32
          %add3A_158 = arith.addi %select_n3A_157, %select_n3A_7 : i32
          %add3A_159 = arith.constant 1 : i32
          %add3A_160 = arith.addi %while3A_140, %add3A_159 : i32
          %select_n3A_161 = arith.constant true
          %select_n3A_162 = arith.select %select_n3A_161, %add3A_160, %while3A_140 : i32
          %eq3A_163 = arith.cmpi eq, %select_n3A_162, %select_n3A : i32
          %select_n3A_164 = arith.constant 0 : i32
          %select_n3A_165 = arith.select %eq3A_163, %select_n3A_164, %select_n3A_162 : i32
          %add3A_166 = arith.addi %select_n3A_165, %select_n3A_7 : i32
          %add3A_167 = arith.constant 1 : i32
          %add3A_168 = arith.addi %select_n3A_165, %add3A_167 : i32
          %select_n3A_169 = arith.constant true
          %select_n3A_170 = arith.select %select_n3A_169, %add3A_168, %select_n3A_165 : i32
          %eq3A_171 = arith.cmpi eq, %select_n3A_170, %select_n3A : i32
          %select_n3A_172 = arith.constant 0 : i32
          %select_n3A_173 = arith.select %eq3A_171, %select_n3A_172, %select_n3A_170 : i32
          %add3A_174 = arith.addi %select_n3A_173, %select_n3A_7 : i32
          %ne3A = arith.cmpi ne, %add3A_148, %add3A_166 : i32
          %or3A = arith.constant false
          %or3A_175 = arith.ori %or3A, %ne3A : i1
          %sub3A_176 = arith.constant 2 : i32
          %sub3A_177 = arith.subi %mul3A_142, %sub3A_176 : i32
          %add3A_178 = arith.constant 1 : i32
          %add3A_179 = arith.addi %sub3A_177, %add3A_178 : i32
          %ge3A = arith.cmpi sge, %while3A_135, %add3A_179 : i32
          %not3A = arith.constant true
          %not3A_180 = arith.xori %ge3A, %not3A : i1
          %and3A = arith.andi %or3A_175, %not3A_180 : i1
          %convert_element_type3A_181 = arith.extui %and3A : i1 to i32
          %cond3A_182 = arith.constant 0 : i32
          %cond3A_183 = arith.cmpi ne, %convert_element_type3A_181, %cond3A_182 : i32
          scf.if %cond3A_183 {
            "tpu.trace_start"() <{level = 10 : i32, message = "ep_copy_in"}> : () -> ()
            %rem3A_287 = arith.constant 2 : i32
            %rem3A_288 = arith.remui %while3A_136, %rem3A_287 : i32
            %mul3A_289 = arith.constant 128 : i32
            %mul3A_290 = arith.muli %mul3A_289, %add3A_166 : i32
            %dma_start3A_291 = arith.constant 0 : i32
            %dma_start3A_292 = arith.constant 0 : i32
            %dma_start3A_293 = tpu.memref_slice %run_scoped3A[%rem3A_288, %dma_start3A_291, %dma_start3A_292] : memref<2x1x128xi32, #tpu.memory_space<vmem>> -> memref<1x1x128xi32, #tpu.memory_space<vmem>>
            %dma_start3A_294 = tpu.memref_squeeze %dma_start3A_293 : memref<1x1x128xi32, #tpu.memory_space<vmem>> -> memref<1x128xi32, #tpu.memory_space<vmem>>
            %dma_start3A_295 = arith.constant 0 : i32
            %dma_start3A_296 = tpu.memref_slice %arg3[%dma_start3A_295, %mul3A_290] : memref<1x256xi32, #tpu.memory_space<hbm>> -> memref<1x128xi32, #tpu.memory_space<hbm>>
            %dma_start3A_297 = tpu.memref_slice %run_scoped3A_10[%rem3A_288] : memref<2x!tpu.dma_semaphore, #tpu.memory_space<semaphore_mem>> -> memref<1x!tpu.dma_semaphore, #tpu.memory_space<semaphore_mem>>
            %dma_start3A_298 = tpu.memref_squeeze %dma_start3A_297 : memref<1x!tpu.dma_semaphore, #tpu.memory_space<semaphore_mem>> -> memref<!tpu.dma_semaphore, #tpu.memory_space<semaphore_mem>>
            %dma_start3A_299 = arith.constant 0 : i32
            %dma_start3A_300 = arith.constant 0 : i32
            %dma_start3A_301 = tpu.memref_slice %run_scoped3A[%rem3A_288, %dma_start3A_299, %dma_start3A_300] : memref<2x1x128xi32, #tpu.memory_space<vmem>> -> memref<1x1x128xi32, #tpu.memory_space<vmem>>
            %dma_start3A_302 = tpu.memref_squeeze %dma_start3A_301 : memref<1x1x128xi32, #tpu.memory_space<vmem>> -> memref<1x128xi32, #tpu.memory_space<vmem>>
            %dma_start3A_303 = arith.constant 0 : i32
            %dma_start3A_304 = tpu.memref_slice %arg3[%dma_start3A_303, %mul3A_290] : memref<1x256xi32, #tpu.memory_space<hbm>> -> memref<1x128xi32, #tpu.memory_space<hbm>>
            tpu.enqueue_dma source(%dma_start3A_304 : memref<1x128xi32, #tpu.memory_space<hbm>>) target(%dma_start3A_302 : memref<1x128xi32, #tpu.memory_space<vmem>>) target_semaphore(%dma_start3A_298 : memref<!tpu.dma_semaphore, #tpu.memory_space<semaphore_mem>>)
            "tpu.trace_stop"() : () -> ()
          } else {
          }
          %and3A_184 = arith.constant true
          %and3A_185 = arith.andi %and3A, %and3A_184 : i1
          %add3A_186 = arith.constant 1 : i32
          %add3A_187 = arith.addi %while3A_136, %add3A_186 : i32
          %select_n3A_188 = arith.select %and3A_185, %add3A_187, %while3A_136 : i32
          %ne3A_189 = arith.cmpi ne, %add3A_148, %add3A_166 : i32
          %or3A_190 = arith.constant false
          %or3A_191 = arith.ori %or3A_190, %ne3A_189 : i1
          %or3A_192 = arith.constant false
          %or3A_193 = arith.ori %or3A_191, %or3A_192 : i1
          %sub3A_194 = arith.constant 2 : i32
          %sub3A_195 = arith.subi %mul3A_142, %sub3A_194 : i32
          %add3A_196 = arith.constant 1 : i32
          %add3A_197 = arith.addi %sub3A_195, %add3A_196 : i32
          %ge3A_198 = arith.cmpi sge, %while3A_135, %add3A_197 : i32
          %not3A_199 = arith.constant true
          %not3A_200 = arith.xori %ge3A_198, %not3A_199 : i1
          %and3A_201 = arith.andi %or3A_193, %not3A_200 : i1
          %ne3A_202 = arith.cmpi ne, %add3A_148, %add3A_158 : i32
          %or3A_203 = arith.constant false
          %or3A_204 = arith.ori %or3A_203, %ne3A_202 : i1
          %or3A_205 = arith.ori %or3A_204, %eq3A_144 : i1
          %convert_element_type3A_206 = arith.extui %or3A_205 : i1 to i32
          %cond3A_207 = arith.constant 0 : i32
          %cond3A_208 = arith.cmpi ne, %convert_element_type3A_206, %cond3A_207 : i32
          scf.if %cond3A_208 {
            "tpu.trace_start"() <{level = 10 : i32, message = "ep_wait_in"}> : () -> ()
            %mul3A_287 = arith.constant 128 : i32
            %mul3A_288 = arith.muli %mul3A_287, %add3A_148 : i32
            %rem3A_289 = arith.constant 2 : i32
            %rem3A_290 = arith.remui %while3A_137, %rem3A_289 : i32
            %dma_wait3A = arith.constant 0 : i32
            %dma_wait3A_291 = arith.constant 0 : i32
            %dma_wait3A_292 = tpu.memref_slice %run_scoped3A[%rem3A_290, %dma_wait3A, %dma_wait3A_291] : memref<2x1x128xi32, #tpu.memory_space<vmem>> -> memref<1x1x128xi32, #tpu.memory_space<vmem>>
            %dma_wait3A_293 = tpu.memref_squeeze %dma_wait3A_292 : memref<1x1x128xi32, #tpu.memory_space<vmem>> -> memref<1x128xi32, #tpu.memory_space<vmem>>
            %dma_wait3A_294 = arith.constant 0 : i32
            %dma_wait3A_295 = tpu.memref_slice %arg3[%dma_wait3A_294, %mul3A_288] : memref<1x256xi32, #tpu.memory_space<hbm>> -> memref<1x128xi32, #tpu.memory_space<hbm>>
            %dma_wait3A_296 = tpu.memref_slice %run_scoped3A_10[%rem3A_290] : memref<2x!tpu.dma_semaphore, #tpu.memory_space<semaphore_mem>> -> memref<1x!tpu.dma_semaphore, #tpu.memory_space<semaphore_mem>>
            %dma_wait3A_297 = tpu.memref_squeeze %dma_wait3A_296 : memref<1x!tpu.dma_semaphore, #tpu.memory_space<semaphore_mem>> -> memref<!tpu.dma_semaphore, #tpu.memory_space<semaphore_mem>>
            %dma_wait3A_298 = arith.constant 0 : i32
            %dma_wait3A_299 = arith.constant 0 : i32
            %dma_wait3A_300 = tpu.memref_slice %run_scoped3A[%rem3A_290, %dma_wait3A_298, %dma_wait3A_299] : memref<2x1x128xi32, #tpu.memory_space<vmem>> -> memref<1x1x128xi32, #tpu.memory_space<vmem>>
            %dma_wait3A_301 = tpu.memref_squeeze %dma_wait3A_300 : memref<1x1x128xi32, #tpu.memory_space<vmem>> -> memref<1x128xi32, #tpu.memory_space<vmem>>
            %dma_wait3A_302 = arith.constant 0 : i32
            %dma_wait3A_303 = tpu.memref_slice %arg3[%dma_wait3A_302, %mul3A_288] : memref<1x256xi32, #tpu.memory_space<hbm>> -> memref<1x128xi32, #tpu.memory_space<hbm>>
            tpu.wait_dma2 semaphore(%dma_wait3A_297 : memref<!tpu.dma_semaphore, #tpu.memory_space<semaphore_mem>>) src(%dma_wait3A_303 : memref<1x128xi32, #tpu.memory_space<hbm>>) dst(%dma_wait3A_301 : memref<1x128xi32, #tpu.memory_space<vmem>>)
            "tpu.trace_stop"() : () -> ()
          } else {
          }
          %ne3A_209 = arith.cmpi ne, %add3A_148, %add3A_158 : i32
          %or3A_210 = arith.constant false
          %or3A_211 = arith.ori %or3A_210, %ne3A_209 : i1
          %or3A_212 = arith.constant false
          %or3A_213 = arith.ori %or3A_211, %or3A_212 : i1
          %or3A_214 = arith.ori %or3A_213, %eq3A_144 : i1
          %convert_element_type3A_215 = arith.extui %or3A_214 : i1 to i32
          %cond3A_216 = arith.constant 0 : i32
          %cond3A_217 = arith.cmpi ne, %convert_element_type3A_215, %cond3A_216 : i32
          scf.if %cond3A_217 {
          } else {
          }
          %rem3A_218 = arith.constant 2 : i32
          %rem3A_219 = arith.remui %while3A_137, %rem3A_218 : i32
          %rem3A_220 = arith.constant 2 : i32
          %rem3A_221 = arith.remui %while3A_138, %rem3A_220 : i32
          %run_scoped3A_222 = arith.constant 0 : i32
          "tpu.trace_start"() <{level = 10 : i32, message = "ep_run_kernel"}> : () -> ()
          "tpu.region"() ({
            %run_scoped3A_287 = tpu.sem_alloc : memref<!tpu.dma_semaphore, #tpu.memory_space<semaphore_mem>>
            %dma_start3A_288 = arith.constant 0 : i32
            %dma_start3A_289 = arith.constant 0 : i32
            %dma_start3A_290 = tpu.memref_slice %run_scoped3A_11[%rem3A_221, %dma_start3A_288, %dma_start3A_289] : memref<2x128x128xf32, #tpu.memory_space<vmem>> -> memref<1x128x128xf32, #tpu.memory_space<vmem>>
            %dma_start3A_291 = tpu.memref_squeeze %dma_start3A_290 : memref<1x128x128xf32, #tpu.memory_space<vmem>> -> memref<128x128xf32, #tpu.memory_space<vmem>>
            %dma_start3A_292 = arith.constant 0 : i32
            %dma_start3A_293 = arith.constant 0 : i32
            %dma_start3A_294 = tpu.memref_slice %run_scoped3A[%rem3A_219, %dma_start3A_292, %dma_start3A_293] : memref<2x1x128xi32, #tpu.memory_space<vmem>> -> memref<1x1x128xi32, #tpu.memory_space<vmem>>
            %dma_start3A_295 = tpu.memref_squeeze %dma_start3A_294 : memref<1x1x128xi32, #tpu.memory_space<vmem>> -> memref<1x128xi32, #tpu.memory_space<vmem>>
            %dma_start3A_296 = arith.constant 0 : i32
            %dma_start3A_297 = tpu.memref_slice %dma_start3A_295[%run_scoped3A_222, %dma_start3A_296] : memref<1x128xi32, #tpu.memory_space<vmem>> -> memref<1x128xi32, #tpu.memory_space<vmem>>
            %dma_start3A_298 = tpu.memref_squeeze %dma_start3A_297 : memref<1x128xi32, #tpu.memory_space<vmem>> -> memref<128xi32, #tpu.memory_space<vmem>>
            %dma_start3A_299 = arith.constant 0 : i32
            %dma_start3A_300 = arith.constant 0 : i32
            %dma_start3A_301 = tpu.memref_slice %arg2[%dma_start3A_299, %dma_start3A_300] : memref<1000000x128xf32, #tpu.memory_space<hbm>> -> memref<1000000x128xf32, #tpu.memory_space<hbm>>
            tpu.enqueue_indirect_dma source(%dma_start3A_301 : memref<1000000x128xf32, #tpu.memory_space<hbm>>) target(%dma_start3A_291 : memref<128x128xf32, #tpu.memory_space<vmem>>) offsets(%dma_start3A_298 : memref<128xi32, #tpu.memory_space<vmem>>) semaphore(%run_scoped3A_287 : memref<!tpu.dma_semaphore, #tpu.memory_space<semaphore_mem>>)
            %dma_wait3A = arith.constant 0 : i32
            %dma_wait3A_302 = arith.constant 0 : i32
            %dma_wait3A_303 = tpu.memref_slice %run_scoped3A_11[%rem3A_221, %dma_wait3A, %dma_wait3A_302] : memref<2x128x128xf32, #tpu.memory_space<vmem>> -> memref<1x128x128xf32, #tpu.memory_space<vmem>>
            %dma_wait3A_304 = tpu.memref_squeeze %dma_wait3A_303 : memref<1x128x128xf32, #tpu.memory_space<vmem>> -> memref<128x128xf32, #tpu.memory_space<vmem>>
            %dma_wait3A_305 = arith.constant 0 : i32
            %dma_wait3A_306 = arith.constant 0 : i32
            %dma_wait3A_307 = tpu.memref_slice %run_scoped3A[%rem3A_219, %dma_wait3A_305, %dma_wait3A_306] : memref<2x1x128xi32, #tpu.memory_space<vmem>> -> memref<1x1x128xi32, #tpu.memory_space<vmem>>
            %dma_wait3A_308 = tpu.memref_squeeze %dma_wait3A_307 : memref<1x1x128xi32, #tpu.memory_space<vmem>> -> memref<1x128xi32, #tpu.memory_space<vmem>>
            %dma_wait3A_309 = arith.constant 0 : i32
            %dma_wait3A_310 = tpu.memref_slice %dma_wait3A_308[%run_scoped3A_222, %dma_wait3A_309] : memref<1x128xi32, #tpu.memory_space<vmem>> -> memref<1x128xi32, #tpu.memory_space<vmem>>
            %dma_wait3A_311 = tpu.memref_squeeze %dma_wait3A_310 : memref<1x128xi32, #tpu.memory_space<vmem>> -> memref<128xi32, #tpu.memory_space<vmem>>
            %dma_wait3A_312 = arith.constant 0 : i32
            %dma_wait3A_313 = arith.constant 0 : i32
            %dma_wait3A_314 = tpu.memref_slice %arg2[%dma_wait3A_312, %dma_wait3A_313] : memref<1000000x128xf32, #tpu.memory_space<hbm>> -> memref<1000000x128xf32, #tpu.memory_space<hbm>>
            tpu.wait_indirect_dma semaphore(%run_scoped3A_287 : memref<!tpu.dma_semaphore, #tpu.memory_space<semaphore_mem>>) src(%dma_wait3A_314 : memref<1000000x128xf32, #tpu.memory_space<hbm>>) dst(%dma_wait3A_304 : memref<128x128xf32, #tpu.memory_space<vmem>>)
            tpu.yield
          }) : () -> ()
          "tpu.trace_stop"() : () -> ()
          %ne3A_223 = arith.cmpi ne, %add3A_148, %add3A_166 : i32
          %or3A_224 = arith.constant false
          %or3A_225 = arith.ori %or3A_224, %ne3A_223 : i1
          %or3A_226 = arith.ori %or3A_225, %eq3A_147 : i1
          %convert_element_type3A_227 = arith.extui %or3A_226 : i1 to i32
          %cond3A_228 = arith.constant 0 : i32
          %cond3A_229 = arith.cmpi ne, %convert_element_type3A_227, %cond3A_228 : i32
          scf.if %cond3A_229 {
          } else {
          }
          %and3A_230 = arith.constant false
          %and3A_231 = arith.andi %or3A_226, %and3A_230 : i1
          %ne3A_232 = arith.cmpi ne, %add3A_148, %add3A_166 : i32
          %or3A_233 = arith.constant false
          %or3A_234 = arith.ori %or3A_233, %ne3A_232 : i1
          %or3A_235 = arith.constant false
          %or3A_236 = arith.ori %or3A_234, %or3A_235 : i1
          %or3A_237 = arith.ori %or3A_236, %eq3A_147 : i1
          %convert_element_type3A_238 = arith.extui %or3A_237 : i1 to i32
          %cond3A_239 = arith.constant 0 : i32
          %cond3A_240 = arith.cmpi ne, %convert_element_type3A_238, %cond3A_239 : i32
          scf.if %cond3A_240 {
            "tpu.trace_start"() <{level = 10 : i32, message = "ep_copy_out"}> : () -> ()
            %rem3A_287 = arith.constant 2 : i32
            %rem3A_288 = arith.remui %while3A_138, %rem3A_287 : i32
            %mul3A_289 = arith.constant 128 : i32
            %mul3A_290 = arith.muli %mul3A_289, %add3A_148 : i32
            %dma_start3A_291 = arith.constant 0 : i32
            %dma_start3A_292 = arith.constant 0 : i32
            %dma_start3A_293 = tpu.memref_slice %run_scoped3A_11[%rem3A_288, %dma_start3A_291, %dma_start3A_292] : memref<2x128x128xf32, #tpu.memory_space<vmem>> -> memref<1x128x128xf32, #tpu.memory_space<vmem>>
            %dma_start3A_294 = tpu.memref_squeeze %dma_start3A_293 : memref<1x128x128xf32, #tpu.memory_space<vmem>> -> memref<128x128xf32, #tpu.memory_space<vmem>>
            %dma_start3A_295 = arith.constant 0 : i32
            %dma_start3A_296 = tpu.memref_slice %arg4[%mul3A_290, %dma_start3A_295] : memref<256x128xf32, #tpu.memory_space<hbm>> -> memref<128x128xf32, #tpu.memory_space<hbm>>
            %dma_start3A_297 = tpu.memref_slice %run_scoped3A_12[%rem3A_288] : memref<2x!tpu.dma_semaphore, #tpu.memory_space<semaphore_mem>> -> memref<1x!tpu.dma_semaphore, #tpu.memory_space<semaphore_mem>>
            %dma_start3A_298 = tpu.memref_squeeze %dma_start3A_297 : memref<1x!tpu.dma_semaphore, #tpu.memory_space<semaphore_mem>> -> memref<!tpu.dma_semaphore, #tpu.memory_space<semaphore_mem>>
            %dma_start3A_299 = arith.constant 0 : i32
            %dma_start3A_300 = tpu.memref_slice %arg4[%mul3A_290, %dma_start3A_299] : memref<256x128xf32, #tpu.memory_space<hbm>> -> memref<128x128xf32, #tpu.memory_space<hbm>>
            %dma_start3A_301 = arith.constant 0 : i32
            %dma_start3A_302 = arith.constant 0 : i32
            %dma_start3A_303 = tpu.memref_slice %run_scoped3A_11[%rem3A_288, %dma_start3A_301, %dma_start3A_302] : memref<2x128x128xf32, #tpu.memory_space<vmem>> -> memref<1x128x128xf32, #tpu.memory_space<vmem>>
            %dma_start3A_304 = tpu.memref_squeeze %dma_start3A_303 : memref<1x128x128xf32, #tpu.memory_space<vmem>> -> memref<128x128xf32, #tpu.memory_space<vmem>>
            tpu.enqueue_dma source(%dma_start3A_304 : memref<128x128xf32, #tpu.memory_space<vmem>>) target(%dma_start3A_300 : memref<128x128xf32, #tpu.memory_space<hbm>>) target_semaphore(%dma_start3A_298 : memref<!tpu.dma_semaphore, #tpu.memory_space<semaphore_mem>>)
            "tpu.trace_stop"() : () -> ()
          } else {
          }
          %and3A_241 = arith.constant true
          %and3A_242 = arith.andi %or3A_237, %and3A_241 : i1
          %add3A_243 = arith.constant 1 : i32
          %add3A_244 = arith.addi %while3A_138, %add3A_243 : i32
          %select_n3A_245 = arith.select %and3A_242, %add3A_244, %while3A_138 : i32
          %ne3A_246 = arith.cmpi ne, %add3A_148, %add3A_158 : i32
          %or3A_247 = arith.constant false
          %or3A_248 = arith.ori %or3A_247, %ne3A_246 : i1
          %not3A_249 = arith.constant true
          %not3A_250 = arith.xori %eq3A_144, %not3A_249 : i1
          %and3A_251 = arith.andi %or3A_248, %not3A_250 : i1
          %convert_element_type3A_252 = arith.extui %and3A_251 : i1 to i32
          %cond3A_253 = arith.constant 0 : i32
          %cond3A_254 = arith.cmpi ne, %convert_element_type3A_252, %cond3A_253 : i32
          scf.if %cond3A_254 {
          } else {
          }
          %and3A_255 = arith.constant false
          %and3A_256 = arith.andi %and3A_251, %and3A_255 : i1
          %ne3A_257 = arith.cmpi ne, %add3A_148, %add3A_158 : i32
          %or3A_258 = arith.constant false
          %or3A_259 = arith.ori %or3A_258, %ne3A_257 : i1
          %or3A_260 = arith.constant false
          %or3A_261 = arith.ori %or3A_259, %or3A_260 : i1
          %not3A_262 = arith.constant true
          %not3A_263 = arith.xori %eq3A_144, %not3A_262 : i1
          %and3A_264 = arith.andi %or3A_261, %not3A_263 : i1
          %convert_element_type3A_265 = arith.extui %and3A_264 : i1 to i32
          %cond3A_266 = arith.constant 0 : i32
          %cond3A_267 = arith.cmpi ne, %convert_element_type3A_265, %cond3A_266 : i32
          scf.if %cond3A_267 {
            "tpu.trace_start"() <{level = 10 : i32, message = "ep_wait_out"}> : () -> ()
            %rem3A_287 = arith.constant 2 : i32
            %rem3A_288 = arith.remui %while3A_139, %rem3A_287 : i32
            %mul3A_289 = arith.constant 128 : i32
            %mul3A_290 = arith.muli %mul3A_289, %add3A_158 : i32
            %dma_wait3A = arith.constant 0 : i32
            %dma_wait3A_291 = arith.constant 0 : i32
            %dma_wait3A_292 = tpu.memref_slice %run_scoped3A_11[%rem3A_288, %dma_wait3A, %dma_wait3A_291] : memref<2x128x128xf32, #tpu.memory_space<vmem>> -> memref<1x128x128xf32, #tpu.memory_space<vmem>>
            %dma_wait3A_293 = tpu.memref_squeeze %dma_wait3A_292 : memref<1x128x128xf32, #tpu.memory_space<vmem>> -> memref<128x128xf32, #tpu.memory_space<vmem>>
            %dma_wait3A_294 = arith.constant 0 : i32
            %dma_wait3A_295 = tpu.memref_slice %arg4[%mul3A_290, %dma_wait3A_294] : memref<256x128xf32, #tpu.memory_space<hbm>> -> memref<128x128xf32, #tpu.memory_space<hbm>>
            %dma_wait3A_296 = tpu.memref_slice %run_scoped3A_12[%rem3A_288] : memref<2x!tpu.dma_semaphore, #tpu.memory_space<semaphore_mem>> -> memref<1x!tpu.dma_semaphore, #tpu.memory_space<semaphore_mem>>
            %dma_wait3A_297 = tpu.memref_squeeze %dma_wait3A_296 : memref<1x!tpu.dma_semaphore, #tpu.memory_space<semaphore_mem>> -> memref<!tpu.dma_semaphore, #tpu.memory_space<semaphore_mem>>
            %dma_wait3A_298 = arith.constant 0 : i32
            %dma_wait3A_299 = tpu.memref_slice %arg4[%mul3A_290, %dma_wait3A_298] : memref<256x128xf32, #tpu.memory_space<hbm>> -> memref<128x128xf32, #tpu.memory_space<hbm>>
            %dma_wait3A_300 = arith.constant 0 : i32
            %dma_wait3A_301 = arith.constant 0 : i32
            %dma_wait3A_302 = tpu.memref_slice %run_scoped3A_11[%rem3A_288, %dma_wait3A_300, %dma_wait3A_301] : memref<2x128x128xf32, #tpu.memory_space<vmem>> -> memref<1x128x128xf32, #tpu.memory_space<vmem>>
            %dma_wait3A_303 = tpu.memref_squeeze %dma_wait3A_302 : memref<1x128x128xf32, #tpu.memory_space<vmem>> -> memref<128x128xf32, #tpu.memory_space<vmem>>
            tpu.wait_dma2 semaphore(%dma_wait3A_297 : memref<!tpu.dma_semaphore, #tpu.memory_space<semaphore_mem>>) src(%dma_wait3A_303 : memref<128x128xf32, #tpu.memory_space<vmem>>) dst(%dma_wait3A_299 : memref<128x128xf32, #tpu.memory_space<hbm>>)
            "tpu.trace_stop"() : () -> ()
          } else {
          }
          %and3A_268 = arith.constant true
          %and3A_269 = arith.andi %and3A_264, %and3A_268 : i1
          %add3A_270 = arith.constant 1 : i32
          %add3A_271 = arith.addi %while3A_139, %add3A_270 : i32
          %select_n3A_272 = arith.select %and3A_269, %add3A_271, %while3A_139 : i32
          %ne3A_273 = arith.cmpi ne, %add3A_148, %add3A_166 : i32
          %or3A_274 = arith.constant false
          %or3A_275 = arith.ori %or3A_274, %ne3A_273 : i1
          %or3A_276 = arith.ori %or3A_275, %eq3A_147 : i1
          %add3A_277 = arith.constant 1 : i32
          %add3A_278 = arith.addi %while3A_137, %add3A_277 : i32
          %select_n3A_279 = arith.select %or3A_276, %add3A_278, %while3A_137 : i32
          %add3A_280 = arith.constant 1 : i32
          %add3A_281 = arith.addi %while3A_140, %add3A_280 : i32
          %select_n3A_282 = arith.constant true
          %select_n3A_283 = arith.select %select_n3A_282, %add3A_281, %while3A_140 : i32
          %eq3A_284 = arith.cmpi eq, %select_n3A_283, %select_n3A : i32
          %select_n3A_285 = arith.constant 0 : i32
          %select_n3A_286 = arith.select %eq3A_284, %select_n3A_285, %select_n3A_283 : i32
          scf.yield %select_n3A_188, %select_n3A_279, %select_n3A_245, %select_n3A_272, %select_n3A_286 : i32, i32, i32, i32, i32
        }
        %while3A_82 = arith.constant 1 : i32
        %while3A_83:5 = scf.for %while3A_135 = %while3A_79 to %while3A_75 step %while3A_82 iter_args(%while3A_136 = %while3A_81#0, %while3A_137 = %while3A_81#1, %while3A_138 = %while3A_81#2, %while3A_139 = %while3A_81#3, %while3A_140 = %while3A_81#4) -> (i32, i32, i32, i32, i32)  : i32 {
          %mul3A_141 = arith.constant 1 : i32
          %mul3A_142 = arith.muli %mul3A_141, %select_n3A : i32
          %eq3A_143 = arith.constant 0 : i32
          %eq3A_144 = arith.cmpi eq, %while3A_135, %eq3A_143 : i32
          %sub3A_145 = arith.constant 1 : i32
          %sub3A_146 = arith.subi %mul3A_142, %sub3A_145 : i32
          %eq3A_147 = arith.cmpi eq, %while3A_135, %sub3A_146 : i32
          %add3A_148 = arith.addi %while3A_140, %select_n3A_7 : i32
          %sub3A_149 = arith.constant 1 : i32
          %sub3A_150 = arith.subi %while3A_140, %sub3A_149 : i32
          %select_n3A_151 = arith.constant true
          %select_n3A_152 = arith.select %select_n3A_151, %sub3A_150, %while3A_140 : i32
          %eq3A_153 = arith.constant -1 : i32
          %eq3A_154 = arith.cmpi eq, %select_n3A_152, %eq3A_153 : i32
          %sub3A_155 = arith.constant 1 : i32
          %sub3A_156 = arith.subi %select_n3A, %sub3A_155 : i32
          %select_n3A_157 = arith.select %eq3A_154, %sub3A_156, %select_n3A_152 : i32
          %add3A_158 = arith.addi %select_n3A_157, %select_n3A_7 : i32
          %add3A_159 = arith.constant 1 : i32
          %add3A_160 = arith.addi %while3A_140, %add3A_159 : i32
          %select_n3A_161 = arith.constant true
          %select_n3A_162 = arith.select %select_n3A_161, %add3A_160, %while3A_140 : i32
          %eq3A_163 = arith.cmpi eq, %select_n3A_162, %select_n3A : i32
          %select_n3A_164 = arith.constant 0 : i32
          %select_n3A_165 = arith.select %eq3A_163, %select_n3A_164, %select_n3A_162 : i32
          %add3A_166 = arith.addi %select_n3A_165, %select_n3A_7 : i32
          %add3A_167 = arith.constant 1 : i32
          %add3A_168 = arith.addi %select_n3A_165, %add3A_167 : i32
          %select_n3A_169 = arith.constant true
          %select_n3A_170 = arith.select %select_n3A_169, %add3A_168, %select_n3A_165 : i32
          %eq3A_171 = arith.cmpi eq, %select_n3A_170, %select_n3A : i32
          %select_n3A_172 = arith.constant 0 : i32
          %select_n3A_173 = arith.select %eq3A_171, %select_n3A_172, %select_n3A_170 : i32
          %add3A_174 = arith.addi %select_n3A_173, %select_n3A_7 : i32
          %ne3A = arith.cmpi ne, %add3A_148, %add3A_166 : i32
          %or3A = arith.constant false
          %or3A_175 = arith.ori %or3A, %ne3A : i1
          %sub3A_176 = arith.constant 2 : i32
          %sub3A_177 = arith.subi %mul3A_142, %sub3A_176 : i32
          %add3A_178 = arith.constant 1 : i32
          %add3A_179 = arith.addi %sub3A_177, %add3A_178 : i32
          %ge3A = arith.cmpi sge, %while3A_135, %add3A_179 : i32
          %not3A = arith.constant true
          %not3A_180 = arith.xori %ge3A, %not3A : i1
          %and3A = arith.andi %or3A_175, %not3A_180 : i1
          %convert_element_type3A_181 = arith.extui %and3A : i1 to i32
          %cond3A_182 = arith.constant 0 : i32
          %cond3A_183 = arith.cmpi ne, %convert_element_type3A_181, %cond3A_182 : i32
          scf.if %cond3A_183 {
            "tpu.trace_start"() <{level = 10 : i32, message = "ep_copy_in"}> : () -> ()
            %rem3A_287 = arith.constant 2 : i32
            %rem3A_288 = arith.remui %while3A_136, %rem3A_287 : i32
            %mul3A_289 = arith.constant 128 : i32
            %mul3A_290 = arith.muli %mul3A_289, %add3A_166 : i32
            %dma_start3A_291 = arith.constant 0 : i32
            %dma_start3A_292 = arith.constant 0 : i32
            %dma_start3A_293 = tpu.memref_slice %run_scoped3A[%rem3A_288, %dma_start3A_291, %dma_start3A_292] : memref<2x1x128xi32, #tpu.memory_space<vmem>> -> memref<1x1x128xi32, #tpu.memory_space<vmem>>
            %dma_start3A_294 = tpu.memref_squeeze %dma_start3A_293 : memref<1x1x128xi32, #tpu.memory_space<vmem>> -> memref<1x128xi32, #tpu.memory_space<vmem>>
            %dma_start3A_295 = arith.constant 0 : i32
            %dma_start3A_296 = tpu.memref_slice %arg3[%dma_start3A_295, %mul3A_290] : memref<1x256xi32, #tpu.memory_space<hbm>> -> memref<1x128xi32, #tpu.memory_space<hbm>>
            %dma_start3A_297 = tpu.memref_slice %run_scoped3A_10[%rem3A_288] : memref<2x!tpu.dma_semaphore, #tpu.memory_space<semaphore_mem>> -> memref<1x!tpu.dma_semaphore, #tpu.memory_space<semaphore_mem>>
            %dma_start3A_298 = tpu.memref_squeeze %dma_start3A_297 : memref<1x!tpu.dma_semaphore, #tpu.memory_space<semaphore_mem>> -> memref<!tpu.dma_semaphore, #tpu.memory_space<semaphore_mem>>
            %dma_start3A_299 = arith.constant 0 : i32
            %dma_start3A_300 = arith.constant 0 : i32
            %dma_start3A_301 = tpu.memref_slice %run_scoped3A[%rem3A_288, %dma_start3A_299, %dma_start3A_300] : memref<2x1x128xi32, #tpu.memory_space<vmem>> -> memref<1x1x128xi32, #tpu.memory_space<vmem>>
            %dma_start3A_302 = tpu.memref_squeeze %dma_start3A_301 : memref<1x1x128xi32, #tpu.memory_space<vmem>> -> memref<1x128xi32, #tpu.memory_space<vmem>>
            %dma_start3A_303 = arith.constant 0 : i32
            %dma_start3A_304 = tpu.memref_slice %arg3[%dma_start3A_303, %mul3A_290] : memref<1x256xi32, #tpu.memory_space<hbm>> -> memref<1x128xi32, #tpu.memory_space<hbm>>
            tpu.enqueue_dma source(%dma_start3A_304 : memref<1x128xi32, #tpu.memory_space<hbm>>) target(%dma_start3A_302 : memref<1x128xi32, #tpu.memory_space<vmem>>) target_semaphore(%dma_start3A_298 : memref<!tpu.dma_semaphore, #tpu.memory_space<semaphore_mem>>)
            "tpu.trace_stop"() : () -> ()
          } else {
          }
          %and3A_184 = arith.constant true
          %and3A_185 = arith.andi %and3A, %and3A_184 : i1
          %add3A_186 = arith.constant 1 : i32
          %add3A_187 = arith.addi %while3A_136, %add3A_186 : i32
          %select_n3A_188 = arith.select %and3A_185, %add3A_187, %while3A_136 : i32
          %ne3A_189 = arith.cmpi ne, %add3A_148, %add3A_166 : i32
          %or3A_190 = arith.constant false
          %or3A_191 = arith.ori %or3A_190, %ne3A_189 : i1
          %or3A_192 = arith.constant false
          %or3A_193 = arith.ori %or3A_191, %or3A_192 : i1
          %sub3A_194 = arith.constant 2 : i32
          %sub3A_195 = arith.subi %mul3A_142, %sub3A_194 : i32
          %add3A_196 = arith.constant 1 : i32
          %add3A_197 = arith.addi %sub3A_195, %add3A_196 : i32
          %ge3A_198 = arith.cmpi sge, %while3A_135, %add3A_197 : i32
          %not3A_199 = arith.constant true
          %not3A_200 = arith.xori %ge3A_198, %not3A_199 : i1
          %and3A_201 = arith.andi %or3A_193, %not3A_200 : i1
          %ne3A_202 = arith.cmpi ne, %add3A_148, %add3A_158 : i32
          %or3A_203 = arith.constant false
          %or3A_204 = arith.ori %or3A_203, %ne3A_202 : i1
          %or3A_205 = arith.ori %or3A_204, %eq3A_144 : i1
          %convert_element_type3A_206 = arith.extui %or3A_205 : i1 to i32
          %cond3A_207 = arith.constant 0 : i32
          %cond3A_208 = arith.cmpi ne, %convert_element_type3A_206, %cond3A_207 : i32
          scf.if %cond3A_208 {
            "tpu.trace_start"() <{level = 10 : i32, message = "ep_wait_in"}> : () -> ()
            %mul3A_287 = arith.constant 128 : i32
            %mul3A_288 = arith.muli %mul3A_287, %add3A_148 : i32
            %rem3A_289 = arith.constant 2 : i32
            %rem3A_290 = arith.remui %while3A_137, %rem3A_289 : i32
            %dma_wait3A = arith.constant 0 : i32
            %dma_wait3A_291 = arith.constant 0 : i32
            %dma_wait3A_292 = tpu.memref_slice %run_scoped3A[%rem3A_290, %dma_wait3A, %dma_wait3A_291] : memref<2x1x128xi32, #tpu.memory_space<vmem>> -> memref<1x1x128xi32, #tpu.memory_space<vmem>>
            %dma_wait3A_293 = tpu.memref_squeeze %dma_wait3A_292 : memref<1x1x128xi32, #tpu.memory_space<vmem>> -> memref<1x128xi32, #tpu.memory_space<vmem>>
            %dma_wait3A_294 = arith.constant 0 : i32
            %dma_wait3A_295 = tpu.memref_slice %arg3[%dma_wait3A_294, %mul3A_288] : memref<1x256xi32, #tpu.memory_space<hbm>> -> memref<1x128xi32, #tpu.memory_space<hbm>>
            %dma_wait3A_296 = tpu.memref_slice %run_scoped3A_10[%rem3A_290] : memref<2x!tpu.dma_semaphore, #tpu.memory_space<semaphore_mem>> -> memref<1x!tpu.dma_semaphore, #tpu.memory_space<semaphore_mem>>
            %dma_wait3A_297 = tpu.memref_squeeze %dma_wait3A_296 : memref<1x!tpu.dma_semaphore, #tpu.memory_space<semaphore_mem>> -> memref<!tpu.dma_semaphore, #tpu.memory_space<semaphore_mem>>
            %dma_wait3A_298 = arith.constant 0 : i32
            %dma_wait3A_299 = arith.constant 0 : i32
            %dma_wait3A_300 = tpu.memref_slice %run_scoped3A[%rem3A_290, %dma_wait3A_298, %dma_wait3A_299] : memref<2x1x128xi32, #tpu.memory_space<vmem>> -> memref<1x1x128xi32, #tpu.memory_space<vmem>>
            %dma_wait3A_301 = tpu.memref_squeeze %dma_wait3A_300 : memref<1x1x128xi32, #tpu.memory_space<vmem>> -> memref<1x128xi32, #tpu.memory_space<vmem>>
            %dma_wait3A_302 = arith.constant 0 : i32
            %dma_wait3A_303 = tpu.memref_slice %arg3[%dma_wait3A_302, %mul3A_288] : memref<1x256xi32, #tpu.memory_space<hbm>> -> memref<1x128xi32, #tpu.memory_space<hbm>>
            tpu.wait_dma2 semaphore(%dma_wait3A_297 : memref<!tpu.dma_semaphore, #tpu.memory_space<semaphore_mem>>) src(%dma_wait3A_303 : memref<1x128xi32, #tpu.memory_space<hbm>>) dst(%dma_wait3A_301 : memref<1x128xi32, #tpu.memory_space<vmem>>)
            "tpu.trace_stop"() : () -> ()
          } else {
          }
          %ne3A_209 = arith.cmpi ne, %add3A_148, %add3A_158 : i32
          %or3A_210 = arith.constant false
          %or3A_211 = arith.ori %or3A_210, %ne3A_209 : i1
          %or3A_212 = arith.constant false
          %or3A_213 = arith.ori %or3A_211, %or3A_212 : i1
          %or3A_214 = arith.ori %or3A_213, %eq3A_144 : i1
          %convert_element_type3A_215 = arith.extui %or3A_214 : i1 to i32
          %cond3A_216 = arith.constant 0 : i32
          %cond3A_217 = arith.cmpi ne, %convert_element_type3A_215, %cond3A_216 : i32
          scf.if %cond3A_217 {
          } else {
          }
          %rem3A_218 = arith.constant 2 : i32
          %rem3A_219 = arith.remui %while3A_137, %rem3A_218 : i32
          %rem3A_220 = arith.constant 2 : i32
          %rem3A_221 = arith.remui %while3A_138, %rem3A_220 : i32
          %run_scoped3A_222 = arith.constant 0 : i32
          "tpu.trace_start"() <{level = 10 : i32, message = "ep_run_kernel"}> : () -> ()
          "tpu.region"() ({
            %run_scoped3A_287 = tpu.sem_alloc : memref<!tpu.dma_semaphore, #tpu.memory_space<semaphore_mem>>
            %dma_start3A_288 = arith.constant 0 : i32
            %dma_start3A_289 = arith.constant 0 : i32
            %dma_start3A_290 = tpu.memref_slice %run_scoped3A_11[%rem3A_221, %dma_start3A_288, %dma_start3A_289] : memref<2x128x128xf32, #tpu.memory_space<vmem>> -> memref<1x128x128xf32, #tpu.memory_space<vmem>>
            %dma_start3A_291 = tpu.memref_squeeze %dma_start3A_290 : memref<1x128x128xf32, #tpu.memory_space<vmem>> -> memref<128x128xf32, #tpu.memory_space<vmem>>
            %dma_start3A_292 = arith.constant 0 : i32
            %dma_start3A_293 = arith.constant 0 : i32
            %dma_start3A_294 = tpu.memref_slice %run_scoped3A[%rem3A_219, %dma_start3A_292, %dma_start3A_293] : memref<2x1x128xi32, #tpu.memory_space<vmem>> -> memref<1x1x128xi32, #tpu.memory_space<vmem>>
            %dma_start3A_295 = tpu.memref_squeeze %dma_start3A_294 : memref<1x1x128xi32, #tpu.memory_space<vmem>> -> memref<1x128xi32, #tpu.memory_space<vmem>>
            %dma_start3A_296 = arith.constant 0 : i32
            %dma_start3A_297 = tpu.memref_slice %dma_start3A_295[%run_scoped3A_222, %dma_start3A_296] : memref<1x128xi32, #tpu.memory_space<vmem>> -> memref<1x128xi32, #tpu.memory_space<vmem>>
            %dma_start3A_298 = tpu.memref_squeeze %dma_start3A_297 : memref<1x128xi32, #tpu.memory_space<vmem>> -> memref<128xi32, #tpu.memory_space<vmem>>
            %dma_start3A_299 = arith.constant 0 : i32
            %dma_start3A_300 = arith.constant 0 : i32
            %dma_start3A_301 = tpu.memref_slice %arg2[%dma_start3A_299, %dma_start3A_300] : memref<1000000x128xf32, #tpu.memory_space<hbm>> -> memref<1000000x128xf32, #tpu.memory_space<hbm>>
            tpu.enqueue_indirect_dma source(%dma_start3A_301 : memref<1000000x128xf32, #tpu.memory_space<hbm>>) target(%dma_start3A_291 : memref<128x128xf32, #tpu.memory_space<vmem>>) offsets(%dma_start3A_298 : memref<128xi32, #tpu.memory_space<vmem>>) semaphore(%run_scoped3A_287 : memref<!tpu.dma_semaphore, #tpu.memory_space<semaphore_mem>>)
            %dma_wait3A = arith.constant 0 : i32
            %dma_wait3A_302 = arith.constant 0 : i32
            %dma_wait3A_303 = tpu.memref_slice %run_scoped3A_11[%rem3A_221, %dma_wait3A, %dma_wait3A_302] : memref<2x128x128xf32, #tpu.memory_space<vmem>> -> memref<1x128x128xf32, #tpu.memory_space<vmem>>
            %dma_wait3A_304 = tpu.memref_squeeze %dma_wait3A_303 : memref<1x128x128xf32, #tpu.memory_space<vmem>> -> memref<128x128xf32, #tpu.memory_space<vmem>>
            %dma_wait3A_305 = arith.constant 0 : i32
            %dma_wait3A_306 = arith.constant 0 : i32
            %dma_wait3A_307 = tpu.memref_slice %run_scoped3A[%rem3A_219, %dma_wait3A_305, %dma_wait3A_306] : memref<2x1x128xi32, #tpu.memory_space<vmem>> -> memref<1x1x128xi32, #tpu.memory_space<vmem>>
            %dma_wait3A_308 = tpu.memref_squeeze %dma_wait3A_307 : memref<1x1x128xi32, #tpu.memory_space<vmem>> -> memref<1x128xi32, #tpu.memory_space<vmem>>
            %dma_wait3A_309 = arith.constant 0 : i32
            %dma_wait3A_310 = tpu.memref_slice %dma_wait3A_308[%run_scoped3A_222, %dma_wait3A_309] : memref<1x128xi32, #tpu.memory_space<vmem>> -> memref<1x128xi32, #tpu.memory_space<vmem>>
            %dma_wait3A_311 = tpu.memref_squeeze %dma_wait3A_310 : memref<1x128xi32, #tpu.memory_space<vmem>> -> memref<128xi32, #tpu.memory_space<vmem>>
            %dma_wait3A_312 = arith.constant 0 : i32
            %dma_wait3A_313 = arith.constant 0 : i32
            %dma_wait3A_314 = tpu.memref_slice %arg2[%dma_wait3A_312, %dma_wait3A_313] : memref<1000000x128xf32, #tpu.memory_space<hbm>> -> memref<1000000x128xf32, #tpu.memory_space<hbm>>
            tpu.wait_indirect_dma semaphore(%run_scoped3A_287 : memref<!tpu.dma_semaphore, #tpu.memory_space<semaphore_mem>>) src(%dma_wait3A_314 : memref<1000000x128xf32, #tpu.memory_space<hbm>>) dst(%dma_wait3A_304 : memref<128x128xf32, #tpu.memory_space<vmem>>)
            tpu.yield
          }) : () -> ()
          "tpu.trace_stop"() : () -> ()
          %ne3A_223 = arith.cmpi ne, %add3A_148, %add3A_166 : i32
          %or3A_224 = arith.constant false
          %or3A_225 = arith.ori %or3A_224, %ne3A_223 : i1
          %or3A_226 = arith.ori %or3A_225, %eq3A_147 : i1
          %convert_element_type3A_227 = arith.extui %or3A_226 : i1 to i32
          %cond3A_228 = arith.constant 0 : i32
          %cond3A_229 = arith.cmpi ne, %convert_element_type3A_227, %cond3A_228 : i32
          scf.if %cond3A_229 {
          } else {
          }
          %and3A_230 = arith.constant false
          %and3A_231 = arith.andi %or3A_226, %and3A_230 : i1
          %ne3A_232 = arith.cmpi ne, %add3A_148, %add3A_166 : i32
          %or3A_233 = arith.constant false
          %or3A_234 = arith.ori %or3A_233, %ne3A_232 : i1
          %or3A_235 = arith.constant false
          %or3A_236 = arith.ori %or3A_234, %or3A_235 : i1
          %or3A_237 = arith.ori %or3A_236, %eq3A_147 : i1
          %convert_element_type3A_238 = arith.extui %or3A_237 : i1 to i32
          %cond3A_239 = arith.constant 0 : i32
          %cond3A_240 = arith.cmpi ne, %convert_element_type3A_238, %cond3A_239 : i32
          scf.if %cond3A_240 {
            "tpu.trace_start"() <{level = 10 : i32, message = "ep_copy_out"}> : () -> ()
            %rem3A_287 = arith.constant 2 : i32
            %rem3A_288 = arith.remui %while3A_138, %rem3A_287 : i32
            %mul3A_289 = arith.constant 128 : i32
            %mul3A_290 = arith.muli %mul3A_289, %add3A_148 : i32
            %dma_start3A_291 = arith.constant 0 : i32
            %dma_start3A_292 = arith.constant 0 : i32
            %dma_start3A_293 = tpu.memref_slice %run_scoped3A_11[%rem3A_288, %dma_start3A_291, %dma_start3A_292] : memref<2x128x128xf32, #tpu.memory_space<vmem>> -> memref<1x128x128xf32, #tpu.memory_space<vmem>>
            %dma_start3A_294 = tpu.memref_squeeze %dma_start3A_293 : memref<1x128x128xf32, #tpu.memory_space<vmem>> -> memref<128x128xf32, #tpu.memory_space<vmem>>
            %dma_start3A_295 = arith.constant 0 : i32
            %dma_start3A_296 = tpu.memref_slice %arg4[%mul3A_290, %dma_start3A_295] : memref<256x128xf32, #tpu.memory_space<hbm>> -> memref<128x128xf32, #tpu.memory_space<hbm>>
            %dma_start3A_297 = tpu.memref_slice %run_scoped3A_12[%rem3A_288] : memref<2x!tpu.dma_semaphore, #tpu.memory_space<semaphore_mem>> -> memref<1x!tpu.dma_semaphore, #tpu.memory_space<semaphore_mem>>
            %dma_start3A_298 = tpu.memref_squeeze %dma_start3A_297 : memref<1x!tpu.dma_semaphore, #tpu.memory_space<semaphore_mem>> -> memref<!tpu.dma_semaphore, #tpu.memory_space<semaphore_mem>>
            %dma_start3A_299 = arith.constant 0 : i32
            %dma_start3A_300 = tpu.memref_slice %arg4[%mul3A_290, %dma_start3A_299] : memref<256x128xf32, #tpu.memory_space<hbm>> -> memref<128x128xf32, #tpu.memory_space<hbm>>
            %dma_start3A_301 = arith.constant 0 : i32
            %dma_start3A_302 = arith.constant 0 : i32
            %dma_start3A_303 = tpu.memref_slice %run_scoped3A_11[%rem3A_288, %dma_start3A_301, %dma_start3A_302] : memref<2x128x128xf32, #tpu.memory_space<vmem>> -> memref<1x128x128xf32, #tpu.memory_space<vmem>>
            %dma_start3A_304 = tpu.memref_squeeze %dma_start3A_303 : memref<1x128x128xf32, #tpu.memory_space<vmem>> -> memref<128x128xf32, #tpu.memory_space<vmem>>
            tpu.enqueue_dma source(%dma_start3A_304 : memref<128x128xf32, #tpu.memory_space<vmem>>) target(%dma_start3A_300 : memref<128x128xf32, #tpu.memory_space<hbm>>) target_semaphore(%dma_start3A_298 : memref<!tpu.dma_semaphore, #tpu.memory_space<semaphore_mem>>)
            "tpu.trace_stop"() : () -> ()
          } else {
          }
          %and3A_241 = arith.constant true
          %and3A_242 = arith.andi %or3A_237, %and3A_241 : i1
          %add3A_243 = arith.constant 1 : i32
          %add3A_244 = arith.addi %while3A_138, %add3A_243 : i32
          %select_n3A_245 = arith.select %and3A_242, %add3A_244, %while3A_138 : i32
          %ne3A_246 = arith.cmpi ne, %add3A_148, %add3A_158 : i32
          %or3A_247 = arith.constant false
          %or3A_248 = arith.ori %or3A_247, %ne3A_246 : i1
          %not3A_249 = arith.constant true
          %not3A_250 = arith.xori %eq3A_144, %not3A_249 : i1
          %and3A_251 = arith.andi %or3A_248, %not3A_250 : i1
          %convert_element_type3A_252 = arith.extui %and3A_251 : i1 to i32
          %cond3A_253 = arith.constant 0 : i32
          %cond3A_254 = arith.cmpi ne, %convert_element_type3A_252, %cond3A_253 : i32
          scf.if %cond3A_254 {
          } else {
          }
          %and3A_255 = arith.constant false
          %and3A_256 = arith.andi %and3A_251, %and3A_255 : i1
          %ne3A_257 = arith.cmpi ne, %add3A_148, %add3A_158 : i32
          %or3A_258 = arith.constant false
          %or3A_259 = arith.ori %or3A_258, %ne3A_257 : i1
          %or3A_260 = arith.constant false
          %or3A_261 = arith.ori %or3A_259, %or3A_260 : i1
          %not3A_262 = arith.constant true
          %not3A_263 = arith.xori %eq3A_144, %not3A_262 : i1
          %and3A_264 = arith.andi %or3A_261, %not3A_263 : i1
          %convert_element_type3A_265 = arith.extui %and3A_264 : i1 to i32
          %cond3A_266 = arith.constant 0 : i32
          %cond3A_267 = arith.cmpi ne, %convert_element_type3A_265, %cond3A_266 : i32
          scf.if %cond3A_267 {
            "tpu.trace_start"() <{level = 10 : i32, message = "ep_wait_out"}> : () -> ()
            %rem3A_287 = arith.constant 2 : i32
            %rem3A_288 = arith.remui %while3A_139, %rem3A_287 : i32
            %mul3A_289 = arith.constant 128 : i32
            %mul3A_290 = arith.muli %mul3A_289, %add3A_158 : i32
            %dma_wait3A = arith.constant 0 : i32
            %dma_wait3A_291 = arith.constant 0 : i32
            %dma_wait3A_292 = tpu.memref_slice %run_scoped3A_11[%rem3A_288, %dma_wait3A, %dma_wait3A_291] : memref<2x128x128xf32, #tpu.memory_space<vmem>> -> memref<1x128x128xf32, #tpu.memory_space<vmem>>
            %dma_wait3A_293 = tpu.memref_squeeze %dma_wait3A_292 : memref<1x128x128xf32, #tpu.memory_space<vmem>> -> memref<128x128xf32, #tpu.memory_space<vmem>>
            %dma_wait3A_294 = arith.constant 0 : i32
            %dma_wait3A_295 = tpu.memref_slice %arg4[%mul3A_290, %dma_wait3A_294] : memref<256x128xf32, #tpu.memory_space<hbm>> -> memref<128x128xf32, #tpu.memory_space<hbm>>
            %dma_wait3A_296 = tpu.memref_slice %run_scoped3A_12[%rem3A_288] : memref<2x!tpu.dma_semaphore, #tpu.memory_space<semaphore_mem>> -> memref<1x!tpu.dma_semaphore, #tpu.memory_space<semaphore_mem>>
            %dma_wait3A_297 = tpu.memref_squeeze %dma_wait3A_296 : memref<1x!tpu.dma_semaphore, #tpu.memory_space<semaphore_mem>> -> memref<!tpu.dma_semaphore, #tpu.memory_space<semaphore_mem>>
            %dma_wait3A_298 = arith.constant 0 : i32
            %dma_wait3A_299 = tpu.memref_slice %arg4[%mul3A_290, %dma_wait3A_298] : memref<256x128xf32, #tpu.memory_space<hbm>> -> memref<128x128xf32, #tpu.memory_space<hbm>>
            %dma_wait3A_300 = arith.constant 0 : i32
            %dma_wait3A_301 = arith.constant 0 : i32
            %dma_wait3A_302 = tpu.memref_slice %run_scoped3A_11[%rem3A_288, %dma_wait3A_300, %dma_wait3A_301] : memref<2x128x128xf32, #tpu.memory_space<vmem>> -> memref<1x128x128xf32, #tpu.memory_space<vmem>>
            %dma_wait3A_303 = tpu.memref_squeeze %dma_wait3A_302 : memref<1x128x128xf32, #tpu.memory_space<vmem>> -> memref<128x128xf32, #tpu.memory_space<vmem>>
            tpu.wait_dma2 semaphore(%dma_wait3A_297 : memref<!tpu.dma_semaphore, #tpu.memory_space<semaphore_mem>>) src(%dma_wait3A_303 : memref<128x128xf32, #tpu.memory_space<vmem>>) dst(%dma_wait3A_299 : memref<128x128xf32, #tpu.memory_space<hbm>>)
            "tpu.trace_stop"() : () -> ()
          } else {
          }
          %and3A_268 = arith.constant true
          %and3A_269 = arith.andi %and3A_264, %and3A_268 : i1
          %add3A_270 = arith.constant 1 : i32
          %add3A_271 = arith.addi %while3A_139, %add3A_270 : i32
          %select_n3A_272 = arith.select %and3A_269, %add3A_271, %while3A_139 : i32
          %ne3A_273 = arith.cmpi ne, %add3A_148, %add3A_166 : i32
          %or3A_274 = arith.constant false
          %or3A_275 = arith.ori %or3A_274, %ne3A_273 : i1
          %or3A_276 = arith.ori %or3A_275, %eq3A_147 : i1
          %add3A_277 = arith.constant 1 : i32
          %add3A_278 = arith.addi %while3A_137, %add3A_277 : i32
          %select_n3A_279 = arith.select %or3A_276, %add3A_278, %while3A_137 : i32
          %add3A_280 = arith.constant 1 : i32
          %add3A_281 = arith.addi %while3A_140, %add3A_280 : i32
          %select_n3A_282 = arith.constant true
          %select_n3A_283 = arith.select %select_n3A_282, %add3A_281, %while3A_140 : i32
          %eq3A_284 = arith.cmpi eq, %select_n3A_283, %select_n3A : i32
          %select_n3A_285 = arith.constant 0 : i32
          %select_n3A_286 = arith.select %eq3A_284, %select_n3A_285, %select_n3A_283 : i32
          scf.yield %select_n3A_188, %select_n3A_279, %select_n3A_245, %select_n3A_272, %select_n3A_286 : i32, i32, i32, i32, i32
        }
        %sub3A_84 = arith.constant 1 : i32
        %sub3A_85 = arith.subi %while3A_83#4, %sub3A_84 : i32
        %select_n3A_86 = arith.constant true
        %select_n3A_87 = arith.select %select_n3A_86, %sub3A_85, %while3A_83#4 : i32
        %eq3A_88 = arith.constant -1 : i32
        %eq3A_89 = arith.cmpi eq, %select_n3A_87, %eq3A_88 : i32
        %sub3A_90 = arith.constant 1 : i32
        %sub3A_91 = arith.subi %select_n3A, %sub3A_90 : i32
        %select_n3A_92 = arith.select %eq3A_89, %sub3A_91, %select_n3A_87 : i32
        %sub3A_93 = arith.constant 1 : i32
        %sub3A_94 = arith.subi %mul3A_9, %sub3A_93 : i32
        %mul3A_95 = arith.constant 1 : i32
        %mul3A_96 = arith.muli %mul3A_95, %select_n3A : i32
        %eq3A_97 = arith.constant 0 : i32
        %eq3A_98 = arith.cmpi eq, %sub3A_94, %eq3A_97 : i32
        %sub3A_99 = arith.constant 1 : i32
        %sub3A_100 = arith.subi %mul3A_96, %sub3A_99 : i32
        %eq3A_101 = arith.cmpi eq, %sub3A_94, %sub3A_100 : i32
        %add3A_102 = arith.addi %select_n3A_92, %select_n3A_7 : i32
        %sub3A_103 = arith.constant 1 : i32
        %sub3A_104 = arith.subi %select_n3A_92, %sub3A_103 : i32
        %select_n3A_105 = arith.constant true
        %select_n3A_106 = arith.select %select_n3A_105, %sub3A_104, %select_n3A_92 : i32
        %eq3A_107 = arith.constant -1 : i32
        %eq3A_108 = arith.cmpi eq, %select_n3A_106, %eq3A_107 : i32
        %sub3A_109 = arith.constant 1 : i32
        %sub3A_110 = arith.subi %select_n3A, %sub3A_109 : i32
        %select_n3A_111 = arith.select %eq3A_108, %sub3A_110, %select_n3A_106 : i32
        %add3A_112 = arith.addi %select_n3A_111, %select_n3A_7 : i32
        %add3A_113 = arith.constant 1 : i32
        %add3A_114 = arith.addi %select_n3A_92, %add3A_113 : i32
        %select_n3A_115 = arith.constant true
        %select_n3A_116 = arith.select %select_n3A_115, %add3A_114, %select_n3A_92 : i32
        %eq3A_117 = arith.cmpi eq, %select_n3A_116, %select_n3A : i32
        %select_n3A_118 = arith.constant 0 : i32
        %select_n3A_119 = arith.select %eq3A_117, %select_n3A_118, %select_n3A_116 : i32
        %add3A_120 = arith.addi %select_n3A_119, %select_n3A_7 : i32
        %add3A_121 = arith.constant 1 : i32
        %add3A_122 = arith.addi %select_n3A_119, %add3A_121 : i32
        %select_n3A_123 = arith.constant true
        %select_n3A_124 = arith.select %select_n3A_123, %add3A_122, %select_n3A_119 : i32
        %eq3A_125 = arith.cmpi eq, %select_n3A_124, %select_n3A : i32
        %select_n3A_126 = arith.constant 0 : i32
        %select_n3A_127 = arith.select %eq3A_125, %select_n3A_126, %select_n3A_124 : i32
        %add3A_128 = arith.addi %select_n3A_127, %select_n3A_7 : i32
        %convert_element_type3A_129 = arith.extui %eq3A_101 : i1 to i32
        %cond3A_130 = arith.constant 0 : i32
        %cond3A_131 = arith.cmpi ne, %convert_element_type3A_129, %cond3A_130 : i32
        scf.if %cond3A_131 {
        } else {
        }
        %convert_element_type3A_132 = arith.extui %eq3A_101 : i1 to i32
        %cond3A_133 = arith.constant 0 : i32
        %cond3A_134 = arith.cmpi ne, %convert_element_type3A_132, %cond3A_133 : i32
        scf.if %cond3A_134 {
          "tpu.trace_start"() <{level = 10 : i32, message = "ep_finalize"}> : () -> ()
          %rem3A_135 = arith.constant 2 : i32
          %rem3A_136 = arith.remui %while3A_83#3, %rem3A_135 : i32
          %mul3A_137 = arith.constant 128 : i32
          %mul3A_138 = arith.muli %mul3A_137, %add3A_102 : i32
          %dma_wait3A = arith.constant 0 : i32
          %dma_wait3A_139 = arith.constant 0 : i32
          %dma_wait3A_140 = tpu.memref_slice %run_scoped3A_11[%rem3A_136, %dma_wait3A, %dma_wait3A_139] : memref<2x128x128xf32, #tpu.memory_space<vmem>> -> memref<1x128x128xf32, #tpu.memory_space<vmem>>
          %dma_wait3A_141 = tpu.memref_squeeze %dma_wait3A_140 : memref<1x128x128xf32, #tpu.memory_space<vmem>> -> memref<128x128xf32, #tpu.memory_space<vmem>>
          %dma_wait3A_142 = arith.constant 0 : i32
          %dma_wait3A_143 = tpu.memref_slice %arg4[%mul3A_138, %dma_wait3A_142] : memref<256x128xf32, #tpu.memory_space<hbm>> -> memref<128x128xf32, #tpu.memory_space<hbm>>
          %dma_wait3A_144 = tpu.memref_slice %run_scoped3A_12[%rem3A_136] : memref<2x!tpu.dma_semaphore, #tpu.memory_space<semaphore_mem>> -> memref<1x!tpu.dma_semaphore, #tpu.memory_space<semaphore_mem>>
          %dma_wait3A_145 = tpu.memref_squeeze %dma_wait3A_144 : memref<1x!tpu.dma_semaphore, #tpu.memory_space<semaphore_mem>> -> memref<!tpu.dma_semaphore, #tpu.memory_space<semaphore_mem>>
          %dma_wait3A_146 = arith.constant 0 : i32
          %dma_wait3A_147 = tpu.memref_slice %arg4[%mul3A_138, %dma_wait3A_146] : memref<256x128xf32, #tpu.memory_space<hbm>> -> memref<128x128xf32, #tpu.memory_space<hbm>>
          %dma_wait3A_148 = arith.constant 0 : i32
          %dma_wait3A_149 = arith.constant 0 : i32
          %dma_wait3A_150 = tpu.memref_slice %run_scoped3A_11[%rem3A_136, %dma_wait3A_148, %dma_wait3A_149] : memref<2x128x128xf32, #tpu.memory_space<vmem>> -> memref<1x128x128xf32, #tpu.memory_space<vmem>>
          %dma_wait3A_151 = tpu.memref_squeeze %dma_wait3A_150 : memref<1x128x128xf32, #tpu.memory_space<vmem>> -> memref<128x128xf32, #tpu.memory_space<vmem>>
          tpu.wait_dma2 semaphore(%dma_wait3A_145 : memref<!tpu.dma_semaphore, #tpu.memory_space<semaphore_mem>>) src(%dma_wait3A_151 : memref<128x128xf32, #tpu.memory_space<vmem>>) dst(%dma_wait3A_147 : memref<128x128xf32, #tpu.memory_space<hbm>>)
          "tpu.trace_stop"() : () -> ()
        } else {
        }
      } else {
      }
      tpu.yield
    }) : () -> ()
    return
  }
}

module attributes {stable_mosaic.version = 14 : i64} {
  func.func @kfn(%arg0: i32, %arg1: i32, %arg2: memref<256x128xf32, #tpu.memory_space<vmem>>, %arg3: memref<128x256xf32, #tpu.memory_space<vmem>>, %arg4: memref<1x256xf32, #tpu.memory_space<vmem>>, %arg5: memref<256x1000000xf32, #tpu.memory_space<any>>, %arg6: memref<256x4096xf32, #tpu.memory_space<vmem>>, %arg7: memref<1x4096xf32, #tpu.memory_space<vmem>>, %arg8: memref<1x4096xf32, #tpu.memory_space<vmem>>, %arg9: memref<8x128xf32, #tpu.memory_space<vmem>>, %arg10: memref<8x128xf32, #tpu.memory_space<vmem>>, %arg11: memref<6x256x4096xf32, #tpu.memory_space<vmem>>, %arg12: memref<256x1xf32, #tpu.memory_space<vmem>>, %arg13: memref<1x1xf32, #tpu.memory_space<vmem>>, %arg14: memref<1x1xf32, #tpu.memory_space<vmem>>, %arg15: memref<4x6x!tpu.dma_semaphore, #tpu.memory_space<semaphore_mem>>) attributes {dimension_semantics = [#tpu.dimension_semantics<parallel>, #tpu.dimension_semantics<arbitrary>], iteration_bounds = array<i64: 4, 62>, scalar_prefetch = 0 : i64, scratch_operands = 5 : i64, tpu.core_type = #tpu.core_type<tc>, window_params = [{pipeline_mode = #tpu.pipeline_mode<synchronous>, transform_indices = @transform_0, window_bounds = array<i64: 256, 128>}, {pipeline_mode = #tpu.pipeline_mode<synchronous>, transform_indices = @transform_1, window_bounds = array<i64: 128, 256>}, {pipeline_mode = #tpu.pipeline_mode<synchronous>, transform_indices = @transform_2, window_bounds = array<i64: 1, 256>}, {}, {transform_indices = @transform_4, window_bounds = array<i64: 256, 4096>}, {transform_indices = @transform_5, window_bounds = array<i64: 1, 4096>}, {transform_indices = @transform_6, window_bounds = array<i64: 1, 4096>}, {transform_indices = @transform_7, window_bounds = array<i64: 8, 128>}, {transform_indices = @transform_8, window_bounds = array<i64: 8, 128>}]} {
    %mul3A = arith.constant 62 : i32
    %mul3A_0 = arith.muli %arg0, %mul3A : i32
    %add3A = arith.addi %mul3A_0, %arg1 : i32
    %add3A_1 = arith.constant 1 : i32
    %add3A_2 = arith.addi %arg0, %add3A_1 : i32
    %mul3A_3 = arith.constant 62 : i32
    %mul3A_4 = arith.muli %add3A_2, %mul3A_3 : i32
    %min3A = arith.constant 244 : i32
    %min3A_5 = arith.minsi %min3A, %mul3A_4 : i32
    %eq3A = arith.constant 0 : i32
    %eq3A_6 = arith.cmpi eq, %arg1, %eq3A : i32
    %convert_element_type3A = arith.extui %eq3A_6 : i1 to i32
    %cond3A = arith.constant 0 : i32
    %cond3A_7 = arith.cmpi ne, %convert_element_type3A, %cond3A : i32
    scf.if %cond3A_7 {
      %iota3A = tpu.iota {dimensions = array<i32: 1>} : vector<1x256xi32>
      %lt3A_34 = arith.constant 200 : i32
      %lt3A_35 = vector.broadcast %lt3A_34 : i32 to vector<1x256xi32>
      %lt3A_36 = arith.cmpi slt, %iota3A, %lt3A_35 : vector<1x256xi32>
      %convert_element_type3A_37 = arith.extui %lt3A_36 : vector<1x256xi1> to vector<1x256xi32>
      %convert_element_type3A_38 = arith.sitofp %convert_element_type3A_37 : vector<1x256xi32> to vector<1x256xf32>
      %get3A = arith.constant 0 : index
      %get3A_39 = arith.constant 0 : index
      %get3A_40 = vector.load %arg2[%get3A, %get3A_39] : memref<256x128xf32, #tpu.memory_space<vmem>>, vector<256x128xf32>
      %dot_general3A = arith.constant dense<0.000000e+00> : vector<1x128xf32>
      %dot_general3A_41 = tpu.matmul %convert_element_type3A_38, %get3A_40, %dot_general3A {dimension_numbers = #tpu.dot_dimension_numbers<[1], [0], [0], [1], [0, 0, 1, 1], [], []>, transpose_lhs_hint = false} : vector<1x256xf32>, vector<256x128xf32>, vector<1x128xf32> -> vector<1x128xf32>
      %get3A_42 = arith.constant 0 : index
      %get3A_43 = arith.constant 0 : index
      %get3A_44 = vector.load %arg3[%get3A_42, %get3A_43] : memref<128x256xf32, #tpu.memory_space<vmem>>, vector<128x256xf32>
      %dot_general3A_45 = arith.constant dense<0.000000e+00> : vector<1x256xf32>
      %dot_general3A_46 = tpu.matmul %dot_general3A_41, %get3A_44, %dot_general3A_45 {dimension_numbers = #tpu.dot_dimension_numbers<[1], [0], [0], [1], [0, 0, 1, 1], [], []>, transpose_lhs_hint = false} : vector<1x128xf32>, vector<128x256xf32>, vector<1x256xf32> -> vector<1x256xf32>
      %get3A_47 = arith.constant 0 : index
      %get3A_48 = arith.constant 0 : index
      %get3A_49 = vector.load %arg4[%get3A_47, %get3A_48] : memref<1x256xf32, #tpu.memory_space<vmem>>, vector<1x256xf32>
      %add3A_50 = arith.addf %dot_general3A_46, %get3A_49 : vector<1x256xf32>
      %max3A = arith.constant 0.000000e+00 : f32
      %max3A_51 = vector.broadcast %max3A : f32 to vector<1x256xf32>
      %max3A_52 = arith.maximumf %add3A_50, %max3A_51 : vector<1x256xf32>
      %transpose3A = tpu.transpose %max3A_52, [1, 0] : vector<1x256xf32> -> vector<256x1xf32>
      %swap3A = arith.constant 0 : index
      %swap3A_53 = arith.constant 0 : index
      %swap3A_54 = vector.load %arg12[%swap3A, %swap3A_53] : memref<256x1xf32, #tpu.memory_space<vmem>>, vector<256x1xf32>
      tpu.vector_store %arg12[%swap3A, %swap3A_53], %transpose3A {strides = array<i32>} : memref<256x1xf32, #tpu.memory_space<vmem>>, vector<256x1xf32>,
      %broadcast_in_dim3A = arith.constant 0xFF800000 : f32
      %broadcast_in_dim3A_55 = vector.broadcast %broadcast_in_dim3A : f32 to vector<1x1xf32>
      %swap3A_56 = arith.constant 0 : index
      %swap3A_57 = arith.constant 0 : index
      %swap3A_58 = vector.load %arg13[%swap3A_56, %swap3A_57] : memref<1x1xf32, #tpu.memory_space<vmem>>, vector<1x1xf32>
      tpu.vector_store %arg13[%swap3A_56, %swap3A_57], %broadcast_in_dim3A_55 {strides = array<i32>} : memref<1x1xf32, #tpu.memory_space<vmem>>, vector<1x1xf32>,
      %broadcast_in_dim3A_59 = arith.constant 0.000000e+00 : f32
      %broadcast_in_dim3A_60 = vector.broadcast %broadcast_in_dim3A_59 : f32 to vector<1x1xf32>
      %swap3A_61 = arith.constant 0 : index
      %swap3A_62 = arith.constant 0 : index
      %swap3A_63 = vector.load %arg14[%swap3A_61, %swap3A_62] : memref<1x1xf32, #tpu.memory_space<vmem>>, vector<1x1xf32>
      tpu.vector_store %arg14[%swap3A_61, %swap3A_62], %broadcast_in_dim3A_60 {strides = array<i32>} : memref<1x1xf32, #tpu.memory_space<vmem>>, vector<1x1xf32>,
      %mul3A_64 = arith.constant 62 : i32
      %mul3A_65 = arith.muli %arg0, %mul3A_64 : i32
      %add3A_66 = arith.constant 0 : i32
      %add3A_67 = arith.addi %mul3A_65, %add3A_66 : i32
      %lt3A_68 = arith.cmpi slt, %add3A_67, %min3A_5 : i32
      %convert_element_type3A_69 = arith.extui %lt3A_68 : i1 to i32
      %cond3A_70 = arith.constant 0 : i32
      %cond3A_71 = arith.cmpi ne, %convert_element_type3A_69, %cond3A_70 : i32
      scf.if %cond3A_71 {
        %mul3A_104 = arith.constant 4096 : i32
        %mul3A_105 = arith.muli %add3A_67, %mul3A_104 : i32
        %rem3A = arith.constant 6 : i32
        %rem3A_106 = arith.remsi %add3A_67, %rem3A : i32
        %rem3A_107 = arith.constant 6 : i32
        %rem3A_108 = arith.remsi %add3A_67, %rem3A_107 : i32
        %dma_start3A = arith.constant 0 : i32
        %dma_start3A_109 = tpu.memref_slice %arg15[%dma_start3A, %rem3A_108] : memref<4x6x!tpu.dma_semaphore, #tpu.memory_space<semaphore_mem>> -> memref<1x1x!tpu.dma_semaphore, #tpu.memory_space<semaphore_mem>>
        %dma_start3A_110 = tpu.memref_squeeze %dma_start3A_109 : memref<1x1x!tpu.dma_semaphore, #tpu.memory_space<semaphore_mem>> -> memref<!tpu.dma_semaphore, #tpu.memory_space<semaphore_mem>>
        %dma_start3A_111 = arith.constant 0 : i32
        %dma_start3A_112 = arith.constant 0 : i32
        %dma_start3A_113 = tpu.memref_slice %arg11[%rem3A_106, %dma_start3A_111, %dma_start3A_112] : memref<6x256x4096xf32, #tpu.memory_space<vmem>> -> memref<1x64x4096xf32, #tpu.memory_space<vmem>>
        %dma_start3A_114 = tpu.memref_squeeze %dma_start3A_113 : memref<1x64x4096xf32, #tpu.memory_space<vmem>> -> memref<64x4096xf32, #tpu.memory_space<vmem>>
        %dma_start3A_115 = arith.constant 0 : i32
        %dma_start3A_116 = tpu.memref_slice %arg5[%dma_start3A_115, %mul3A_105] : memref<256x1000000xf32, #tpu.memory_space<any>> -> memref<64x4096xf32, #tpu.memory_space<any>>
        tpu.enqueue_dma source(%dma_start3A_116 : memref<64x4096xf32, #tpu.memory_space<any>>) target(%dma_start3A_114 : memref<64x4096xf32, #tpu.memory_space<vmem>>) target_semaphore(%dma_start3A_110 : memref<!tpu.dma_semaphore, #tpu.memory_space<semaphore_mem>>)
        %mul3A_117 = arith.constant 4096 : i32
        %mul3A_118 = arith.muli %add3A_67, %mul3A_117 : i32
        %rem3A_119 = arith.constant 6 : i32
        %rem3A_120 = arith.remsi %add3A_67, %rem3A_119 : i32
        %rem3A_121 = arith.constant 6 : i32
        %rem3A_122 = arith.remsi %add3A_67, %rem3A_121 : i32
        %dma_start3A_123 = arith.constant 1 : i32
        %dma_start3A_124 = tpu.memref_slice %arg15[%dma_start3A_123, %rem3A_122] : memref<4x6x!tpu.dma_semaphore, #tpu.memory_space<semaphore_mem>> -> memref<1x1x!tpu.dma_semaphore, #tpu.memory_space<semaphore_mem>>
        %dma_start3A_125 = tpu.memref_squeeze %dma_start3A_124 : memref<1x1x!tpu.dma_semaphore, #tpu.memory_space<semaphore_mem>> -> memref<!tpu.dma_semaphore, #tpu.memory_space<semaphore_mem>>
        %dma_start3A_126 = arith.constant 64 : i32
        %dma_start3A_127 = arith.constant 0 : i32
        %dma_start3A_128 = tpu.memref_slice %arg11[%rem3A_120, %dma_start3A_126, %dma_start3A_127] : memref<6x256x4096xf32, #tpu.memory_space<vmem>> -> memref<1x64x4096xf32, #tpu.memory_space<vmem>>
        %dma_start3A_129 = tpu.memref_squeeze %dma_start3A_128 : memref<1x64x4096xf32, #tpu.memory_space<vmem>> -> memref<64x4096xf32, #tpu.memory_space<vmem>>
        %dma_start3A_130 = arith.constant 64 : i32
        %dma_start3A_131 = tpu.memref_slice %arg5[%dma_start3A_130, %mul3A_118] : memref<256x1000000xf32, #tpu.memory_space<any>> -> memref<64x4096xf32, #tpu.memory_space<any>>
        tpu.enqueue_dma source(%dma_start3A_131 : memref<64x4096xf32, #tpu.memory_space<any>>) target(%dma_start3A_129 : memref<64x4096xf32, #tpu.memory_space<vmem>>) target_semaphore(%dma_start3A_125 : memref<!tpu.dma_semaphore, #tpu.memory_space<semaphore_mem>>)
        %mul3A_132 = arith.constant 4096 : i32
        %mul3A_133 = arith.muli %add3A_67, %mul3A_132 : i32
        %rem3A_134 = arith.constant 6 : i32
        %rem3A_135 = arith.remsi %add3A_67, %rem3A_134 : i32
        %rem3A_136 = arith.constant 6 : i32
        %rem3A_137 = arith.remsi %add3A_67, %rem3A_136 : i32
        %dma_start3A_138 = arith.constant 2 : i32
        %dma_start3A_139 = tpu.memref_slice %arg15[%dma_start3A_138, %rem3A_137] : memref<4x6x!tpu.dma_semaphore, #tpu.memory_space<semaphore_mem>> -> memref<1x1x!tpu.dma_semaphore, #tpu.memory_space<semaphore_mem>>
        %dma_start3A_140 = tpu.memref_squeeze %dma_start3A_139 : memref<1x1x!tpu.dma_semaphore, #tpu.memory_space<semaphore_mem>> -> memref<!tpu.dma_semaphore, #tpu.memory_space<semaphore_mem>>
        %dma_start3A_141 = arith.constant 128 : i32
        %dma_start3A_142 = arith.constant 0 : i32
        %dma_start3A_143 = tpu.memref_slice %arg11[%rem3A_135, %dma_start3A_141, %dma_start3A_142] : memref<6x256x4096xf32, #tpu.memory_space<vmem>> -> memref<1x64x4096xf32, #tpu.memory_space<vmem>>
        %dma_start3A_144 = tpu.memref_squeeze %dma_start3A_143 : memref<1x64x4096xf32, #tpu.memory_space<vmem>> -> memref<64x4096xf32, #tpu.memory_space<vmem>>
        %dma_start3A_145 = arith.constant 128 : i32
        %dma_start3A_146 = tpu.memref_slice %arg5[%dma_start3A_145, %mul3A_133] : memref<256x1000000xf32, #tpu.memory_space<any>> -> memref<64x4096xf32, #tpu.memory_space<any>>
        tpu.enqueue_dma source(%dma_start3A_146 : memref<64x4096xf32, #tpu.memory_space<any>>) target(%dma_start3A_144 : memref<64x4096xf32, #tpu.memory_space<vmem>>) target_semaphore(%dma_start3A_140 : memref<!tpu.dma_semaphore, #tpu.memory_space<semaphore_mem>>)
        %mul3A_147 = arith.constant 4096 : i32
        %mul3A_148 = arith.muli %add3A_67, %mul3A_147 : i32
        %rem3A_149 = arith.constant 6 : i32
        %rem3A_150 = arith.remsi %add3A_67, %rem3A_149 : i32
        %rem3A_151 = arith.constant 6 : i32
        %rem3A_152 = arith.remsi %add3A_67, %rem3A_151 : i32
        %dma_start3A_153 = arith.constant 3 : i32
        %dma_start3A_154 = tpu.memref_slice %arg15[%dma_start3A_153, %rem3A_152] : memref<4x6x!tpu.dma_semaphore, #tpu.memory_space<semaphore_mem>> -> memref<1x1x!tpu.dma_semaphore, #tpu.memory_space<semaphore_mem>>
        %dma_start3A_155 = tpu.memref_squeeze %dma_start3A_154 : memref<1x1x!tpu.dma_semaphore, #tpu.memory_space<semaphore_mem>> -> memref<!tpu.dma_semaphore, #tpu.memory_space<semaphore_mem>>
        %dma_start3A_156 = arith.constant 192 : i32
        %dma_start3A_157 = arith.constant 0 : i32
        %dma_start3A_158 = tpu.memref_slice %arg11[%rem3A_150, %dma_start3A_156, %dma_start3A_157] : memref<6x256x4096xf32, #tpu.memory_space<vmem>> -> memref<1x64x4096xf32, #tpu.memory_space<vmem>>
        %dma_start3A_159 = tpu.memref_squeeze %dma_start3A_158 : memref<1x64x4096xf32, #tpu.memory_space<vmem>> -> memref<64x4096xf32, #tpu.memory_space<vmem>>
        %dma_start3A_160 = arith.constant 192 : i32
        %dma_start3A_161 = tpu.memref_slice %arg5[%dma_start3A_160, %mul3A_148] : memref<256x1000000xf32, #tpu.memory_space<any>> -> memref<64x4096xf32, #tpu.memory_space<any>>
        tpu.enqueue_dma source(%dma_start3A_161 : memref<64x4096xf32, #tpu.memory_space<any>>) target(%dma_start3A_159 : memref<64x4096xf32, #tpu.memory_space<vmem>>) target_semaphore(%dma_start3A_155 : memref<!tpu.dma_semaphore, #tpu.memory_space<semaphore_mem>>)
      } else {
      }
      %mul3A_72 = arith.constant 62 : i32
      %mul3A_73 = arith.muli %arg0, %mul3A_72 : i32
      %add3A_74 = arith.constant 1 : i32
      %add3A_75 = arith.addi %mul3A_73, %add3A_74 : i32
      %lt3A_76 = arith.cmpi slt, %add3A_75, %min3A_5 : i32
      %convert_element_type3A_77 = arith.extui %lt3A_76 : i1 to i32
      %cond3A_78 = arith.constant 0 : i32
      %cond3A_79 = arith.cmpi ne, %convert_element_type3A_77, %cond3A_78 : i32
      scf.if %cond3A_79 {
        %mul3A_104 = arith.constant 4096 : i32
        %mul3A_105 = arith.muli %add3A_75, %mul3A_104 : i32
        %rem3A = arith.constant 6 : i32
        %rem3A_106 = arith.remsi %add3A_75, %rem3A : i32
        %rem3A_107 = arith.constant 6 : i32
        %rem3A_108 = arith.remsi %add3A_75, %rem3A_107 : i32
        %dma_start3A = arith.constant 0 : i32
        %dma_start3A_109 = tpu.memref_slice %arg15[%dma_start3A, %rem3A_108] : memref<4x6x!tpu.dma_semaphore, #tpu.memory_space<semaphore_mem>> -> memref<1x1x!tpu.dma_semaphore, #tpu.memory_space<semaphore_mem>>
        %dma_start3A_110 = tpu.memref_squeeze %dma_start3A_109 : memref<1x1x!tpu.dma_semaphore, #tpu.memory_space<semaphore_mem>> -> memref<!tpu.dma_semaphore, #tpu.memory_space<semaphore_mem>>
        %dma_start3A_111 = arith.constant 0 : i32
        %dma_start3A_112 = arith.constant 0 : i32
        %dma_start3A_113 = tpu.memref_slice %arg11[%rem3A_106, %dma_start3A_111, %dma_start3A_112] : memref<6x256x4096xf32, #tpu.memory_space<vmem>> -> memref<1x64x4096xf32, #tpu.memory_space<vmem>>
        %dma_start3A_114 = tpu.memref_squeeze %dma_start3A_113 : memref<1x64x4096xf32, #tpu.memory_space<vmem>> -> memref<64x4096xf32, #tpu.memory_space<vmem>>
        %dma_start3A_115 = arith.constant 0 : i32
        %dma_start3A_116 = tpu.memref_slice %arg5[%dma_start3A_115, %mul3A_105] : memref<256x1000000xf32, #tpu.memory_space<any>> -> memref<64x4096xf32, #tpu.memory_space<any>>
        tpu.enqueue_dma source(%dma_start3A_116 : memref<64x4096xf32, #tpu.memory_space<any>>) target(%dma_start3A_114 : memref<64x4096xf32, #tpu.memory_space<vmem>>) target_semaphore(%dma_start3A_110 : memref<!tpu.dma_semaphore, #tpu.memory_space<semaphore_mem>>)
        %mul3A_117 = arith.constant 4096 : i32
        %mul3A_118 = arith.muli %add3A_75, %mul3A_117 : i32
        %rem3A_119 = arith.constant 6 : i32
        %rem3A_120 = arith.remsi %add3A_75, %rem3A_119 : i32
        %rem3A_121 = arith.constant 6 : i32
        %rem3A_122 = arith.remsi %add3A_75, %rem3A_121 : i32
        %dma_start3A_123 = arith.constant 1 : i32
        %dma_start3A_124 = tpu.memref_slice %arg15[%dma_start3A_123, %rem3A_122] : memref<4x6x!tpu.dma_semaphore, #tpu.memory_space<semaphore_mem>> -> memref<1x1x!tpu.dma_semaphore, #tpu.memory_space<semaphore_mem>>
        %dma_start3A_125 = tpu.memref_squeeze %dma_start3A_124 : memref<1x1x!tpu.dma_semaphore, #tpu.memory_space<semaphore_mem>> -> memref<!tpu.dma_semaphore, #tpu.memory_space<semaphore_mem>>
        %dma_start3A_126 = arith.constant 64 : i32
        %dma_start3A_127 = arith.constant 0 : i32
        %dma_start3A_128 = tpu.memref_slice %arg11[%rem3A_120, %dma_start3A_126, %dma_start3A_127] : memref<6x256x4096xf32, #tpu.memory_space<vmem>> -> memref<1x64x4096xf32, #tpu.memory_space<vmem>>
        %dma_start3A_129 = tpu.memref_squeeze %dma_start3A_128 : memref<1x64x4096xf32, #tpu.memory_space<vmem>> -> memref<64x4096xf32, #tpu.memory_space<vmem>>
        %dma_start3A_130 = arith.constant 64 : i32
        %dma_start3A_131 = tpu.memref_slice %arg5[%dma_start3A_130, %mul3A_118] : memref<256x1000000xf32, #tpu.memory_space<any>> -> memref<64x4096xf32, #tpu.memory_space<any>>
        tpu.enqueue_dma source(%dma_start3A_131 : memref<64x4096xf32, #tpu.memory_space<any>>) target(%dma_start3A_129 : memref<64x4096xf32, #tpu.memory_space<vmem>>) target_semaphore(%dma_start3A_125 : memref<!tpu.dma_semaphore, #tpu.memory_space<semaphore_mem>>)
        %mul3A_132 = arith.constant 4096 : i32
        %mul3A_133 = arith.muli %add3A_75, %mul3A_132 : i32
        %rem3A_134 = arith.constant 6 : i32
        %rem3A_135 = arith.remsi %add3A_75, %rem3A_134 : i32
        %rem3A_136 = arith.constant 6 : i32
        %rem3A_137 = arith.remsi %add3A_75, %rem3A_136 : i32
        %dma_start3A_138 = arith.constant 2 : i32
        %dma_start3A_139 = tpu.memref_slice %arg15[%dma_start3A_138, %rem3A_137] : memref<4x6x!tpu.dma_semaphore, #tpu.memory_space<semaphore_mem>> -> memref<1x1x!tpu.dma_semaphore, #tpu.memory_space<semaphore_mem>>
        %dma_start3A_140 = tpu.memref_squeeze %dma_start3A_139 : memref<1x1x!tpu.dma_semaphore, #tpu.memory_space<semaphore_mem>> -> memref<!tpu.dma_semaphore, #tpu.memory_space<semaphore_mem>>
        %dma_start3A_141 = arith.constant 128 : i32
        %dma_start3A_142 = arith.constant 0 : i32
        %dma_start3A_143 = tpu.memref_slice %arg11[%rem3A_135, %dma_start3A_141, %dma_start3A_142] : memref<6x256x4096xf32, #tpu.memory_space<vmem>> -> memref<1x64x4096xf32, #tpu.memory_space<vmem>>
        %dma_start3A_144 = tpu.memref_squeeze %dma_start3A_143 : memref<1x64x4096xf32, #tpu.memory_space<vmem>> -> memref<64x4096xf32, #tpu.memory_space<vmem>>
        %dma_start3A_145 = arith.constant 128 : i32
        %dma_start3A_146 = tpu.memref_slice %arg5[%dma_start3A_145, %mul3A_133] : memref<256x1000000xf32, #tpu.memory_space<any>> -> memref<64x4096xf32, #tpu.memory_space<any>>
        tpu.enqueue_dma source(%dma_start3A_146 : memref<64x4096xf32, #tpu.memory_space<any>>) target(%dma_start3A_144 : memref<64x4096xf32, #tpu.memory_space<vmem>>) target_semaphore(%dma_start3A_140 : memref<!tpu.dma_semaphore, #tpu.memory_space<semaphore_mem>>)
        %mul3A_147 = arith.constant 4096 : i32
        %mul3A_148 = arith.muli %add3A_75, %mul3A_147 : i32
        %rem3A_149 = arith.constant 6 : i32
        %rem3A_150 = arith.remsi %add3A_75, %rem3A_149 : i32
        %rem3A_151 = arith.constant 6 : i32
        %rem3A_152 = arith.remsi %add3A_75, %rem3A_151 : i32
        %dma_start3A_153 = arith.constant 3 : i32
        %dma_start3A_154 = tpu.memref_slice %arg15[%dma_start3A_153, %rem3A_152] : memref<4x6x!tpu.dma_semaphore, #tpu.memory_space<semaphore_mem>> -> memref<1x1x!tpu.dma_semaphore, #tpu.memory_space<semaphore_mem>>
        %dma_start3A_155 = tpu.memref_squeeze %dma_start3A_154 : memref<1x1x!tpu.dma_semaphore, #tpu.memory_space<semaphore_mem>> -> memref<!tpu.dma_semaphore, #tpu.memory_space<semaphore_mem>>
        %dma_start3A_156 = arith.constant 192 : i32
        %dma_start3A_157 = arith.constant 0 : i32
        %dma_start3A_158 = tpu.memref_slice %arg11[%rem3A_150, %dma_start3A_156, %dma_start3A_157] : memref<6x256x4096xf32, #tpu.memory_space<vmem>> -> memref<1x64x4096xf32, #tpu.memory_space<vmem>>
        %dma_start3A_159 = tpu.memref_squeeze %dma_start3A_158 : memref<1x64x4096xf32, #tpu.memory_space<vmem>> -> memref<64x4096xf32, #tpu.memory_space<vmem>>
        %dma_start3A_160 = arith.constant 192 : i32
        %dma_start3A_161 = tpu.memref_slice %arg5[%dma_start3A_160, %mul3A_148] : memref<256x1000000xf32, #tpu.memory_space<any>> -> memref<64x4096xf32, #tpu.memory_space<any>>
        tpu.enqueue_dma source(%dma_start3A_161 : memref<64x4096xf32, #tpu.memory_space<any>>) target(%dma_start3A_159 : memref<64x4096xf32, #tpu.memory_space<vmem>>) target_semaphore(%dma_start3A_155 : memref<!tpu.dma_semaphore, #tpu.memory_space<semaphore_mem>>)
      } else {
      }
      %mul3A_80 = arith.constant 62 : i32
      %mul3A_81 = arith.muli %arg0, %mul3A_80 : i32
      %add3A_82 = arith.constant 2 : i32
      %add3A_83 = arith.addi %mul3A_81, %add3A_82 : i32
      %lt3A_84 = arith.cmpi slt, %add3A_83, %min3A_5 : i32
      %convert_element_type3A_85 = arith.extui %lt3A_84 : i1 to i32
      %cond3A_86 = arith.constant 0 : i32
      %cond3A_87 = arith.cmpi ne, %convert_element_type3A_85, %cond3A_86 : i32
      scf.if %cond3A_87 {
        %mul3A_104 = arith.constant 4096 : i32
        %mul3A_105 = arith.muli %add3A_83, %mul3A_104 : i32
        %rem3A = arith.constant 6 : i32
        %rem3A_106 = arith.remsi %add3A_83, %rem3A : i32
        %rem3A_107 = arith.constant 6 : i32
        %rem3A_108 = arith.remsi %add3A_83, %rem3A_107 : i32
        %dma_start3A = arith.constant 0 : i32
        %dma_start3A_109 = tpu.memref_slice %arg15[%dma_start3A, %rem3A_108] : memref<4x6x!tpu.dma_semaphore, #tpu.memory_space<semaphore_mem>> -> memref<1x1x!tpu.dma_semaphore, #tpu.memory_space<semaphore_mem>>
        %dma_start3A_110 = tpu.memref_squeeze %dma_start3A_109 : memref<1x1x!tpu.dma_semaphore, #tpu.memory_space<semaphore_mem>> -> memref<!tpu.dma_semaphore, #tpu.memory_space<semaphore_mem>>
        %dma_start3A_111 = arith.constant 0 : i32
        %dma_start3A_112 = arith.constant 0 : i32
        %dma_start3A_113 = tpu.memref_slice %arg11[%rem3A_106, %dma_start3A_111, %dma_start3A_112] : memref<6x256x4096xf32, #tpu.memory_space<vmem>> -> memref<1x64x4096xf32, #tpu.memory_space<vmem>>
        %dma_start3A_114 = tpu.memref_squeeze %dma_start3A_113 : memref<1x64x4096xf32, #tpu.memory_space<vmem>> -> memref<64x4096xf32, #tpu.memory_space<vmem>>
        %dma_start3A_115 = arith.constant 0 : i32
        %dma_start3A_116 = tpu.memref_slice %arg5[%dma_start3A_115, %mul3A_105] : memref<256x1000000xf32, #tpu.memory_space<any>> -> memref<64x4096xf32, #tpu.memory_space<any>>
        tpu.enqueue_dma source(%dma_start3A_116 : memref<64x4096xf32, #tpu.memory_space<any>>) target(%dma_start3A_114 : memref<64x4096xf32, #tpu.memory_space<vmem>>) target_semaphore(%dma_start3A_110 : memref<!tpu.dma_semaphore, #tpu.memory_space<semaphore_mem>>)
        %mul3A_117 = arith.constant 4096 : i32
        %mul3A_118 = arith.muli %add3A_83, %mul3A_117 : i32
        %rem3A_119 = arith.constant 6 : i32
        %rem3A_120 = arith.remsi %add3A_83, %rem3A_119 : i32
        %rem3A_121 = arith.constant 6 : i32
        %rem3A_122 = arith.remsi %add3A_83, %rem3A_121 : i32
        %dma_start3A_123 = arith.constant 1 : i32
        %dma_start3A_124 = tpu.memref_slice %arg15[%dma_start3A_123, %rem3A_122] : memref<4x6x!tpu.dma_semaphore, #tpu.memory_space<semaphore_mem>> -> memref<1x1x!tpu.dma_semaphore, #tpu.memory_space<semaphore_mem>>
        %dma_start3A_125 = tpu.memref_squeeze %dma_start3A_124 : memref<1x1x!tpu.dma_semaphore, #tpu.memory_space<semaphore_mem>> -> memref<!tpu.dma_semaphore, #tpu.memory_space<semaphore_mem>>
        %dma_start3A_126 = arith.constant 64 : i32
        %dma_start3A_127 = arith.constant 0 : i32
        %dma_start3A_128 = tpu.memref_slice %arg11[%rem3A_120, %dma_start3A_126, %dma_start3A_127] : memref<6x256x4096xf32, #tpu.memory_space<vmem>> -> memref<1x64x4096xf32, #tpu.memory_space<vmem>>
        %dma_start3A_129 = tpu.memref_squeeze %dma_start3A_128 : memref<1x64x4096xf32, #tpu.memory_space<vmem>> -> memref<64x4096xf32, #tpu.memory_space<vmem>>
        %dma_start3A_130 = arith.constant 64 : i32
        %dma_start3A_131 = tpu.memref_slice %arg5[%dma_start3A_130, %mul3A_118] : memref<256x1000000xf32, #tpu.memory_space<any>> -> memref<64x4096xf32, #tpu.memory_space<any>>
        tpu.enqueue_dma source(%dma_start3A_131 : memref<64x4096xf32, #tpu.memory_space<any>>) target(%dma_start3A_129 : memref<64x4096xf32, #tpu.memory_space<vmem>>) target_semaphore(%dma_start3A_125 : memref<!tpu.dma_semaphore, #tpu.memory_space<semaphore_mem>>)
        %mul3A_132 = arith.constant 4096 : i32
        %mul3A_133 = arith.muli %add3A_83, %mul3A_132 : i32
        %rem3A_134 = arith.constant 6 : i32
        %rem3A_135 = arith.remsi %add3A_83, %rem3A_134 : i32
        %rem3A_136 = arith.constant 6 : i32
        %rem3A_137 = arith.remsi %add3A_83, %rem3A_136 : i32
        %dma_start3A_138 = arith.constant 2 : i32
        %dma_start3A_139 = tpu.memref_slice %arg15[%dma_start3A_138, %rem3A_137] : memref<4x6x!tpu.dma_semaphore, #tpu.memory_space<semaphore_mem>> -> memref<1x1x!tpu.dma_semaphore, #tpu.memory_space<semaphore_mem>>
        %dma_start3A_140 = tpu.memref_squeeze %dma_start3A_139 : memref<1x1x!tpu.dma_semaphore, #tpu.memory_space<semaphore_mem>> -> memref<!tpu.dma_semaphore, #tpu.memory_space<semaphore_mem>>
        %dma_start3A_141 = arith.constant 128 : i32
        %dma_start3A_142 = arith.constant 0 : i32
        %dma_start3A_143 = tpu.memref_slice %arg11[%rem3A_135, %dma_start3A_141, %dma_start3A_142] : memref<6x256x4096xf32, #tpu.memory_space<vmem>> -> memref<1x64x4096xf32, #tpu.memory_space<vmem>>
        %dma_start3A_144 = tpu.memref_squeeze %dma_start3A_143 : memref<1x64x4096xf32, #tpu.memory_space<vmem>> -> memref<64x4096xf32, #tpu.memory_space<vmem>>
        %dma_start3A_145 = arith.constant 128 : i32
        %dma_start3A_146 = tpu.memref_slice %arg5[%dma_start3A_145, %mul3A_133] : memref<256x1000000xf32, #tpu.memory_space<any>> -> memref<64x4096xf32, #tpu.memory_space<any>>
        tpu.enqueue_dma source(%dma_start3A_146 : memref<64x4096xf32, #tpu.memory_space<any>>) target(%dma_start3A_144 : memref<64x4096xf32, #tpu.memory_space<vmem>>) target_semaphore(%dma_start3A_140 : memref<!tpu.dma_semaphore, #tpu.memory_space<semaphore_mem>>)
        %mul3A_147 = arith.constant 4096 : i32
        %mul3A_148 = arith.muli %add3A_83, %mul3A_147 : i32
        %rem3A_149 = arith.constant 6 : i32
        %rem3A_150 = arith.remsi %add3A_83, %rem3A_149 : i32
        %rem3A_151 = arith.constant 6 : i32
        %rem3A_152 = arith.remsi %add3A_83, %rem3A_151 : i32
        %dma_start3A_153 = arith.constant 3 : i32
        %dma_start3A_154 = tpu.memref_slice %arg15[%dma_start3A_153, %rem3A_152] : memref<4x6x!tpu.dma_semaphore, #tpu.memory_space<semaphore_mem>> -> memref<1x1x!tpu.dma_semaphore, #tpu.memory_space<semaphore_mem>>
        %dma_start3A_155 = tpu.memref_squeeze %dma_start3A_154 : memref<1x1x!tpu.dma_semaphore, #tpu.memory_space<semaphore_mem>> -> memref<!tpu.dma_semaphore, #tpu.memory_space<semaphore_mem>>
        %dma_start3A_156 = arith.constant 192 : i32
        %dma_start3A_157 = arith.constant 0 : i32
        %dma_start3A_158 = tpu.memref_slice %arg11[%rem3A_150, %dma_start3A_156, %dma_start3A_157] : memref<6x256x4096xf32, #tpu.memory_space<vmem>> -> memref<1x64x4096xf32, #tpu.memory_space<vmem>>
        %dma_start3A_159 = tpu.memref_squeeze %dma_start3A_158 : memref<1x64x4096xf32, #tpu.memory_space<vmem>> -> memref<64x4096xf32, #tpu.memory_space<vmem>>
        %dma_start3A_160 = arith.constant 192 : i32
        %dma_start3A_161 = tpu.memref_slice %arg5[%dma_start3A_160, %mul3A_148] : memref<256x1000000xf32, #tpu.memory_space<any>> -> memref<64x4096xf32, #tpu.memory_space<any>>
        tpu.enqueue_dma source(%dma_start3A_161 : memref<64x4096xf32, #tpu.memory_space<any>>) target(%dma_start3A_159 : memref<64x4096xf32, #tpu.memory_space<vmem>>) target_semaphore(%dma_start3A_155 : memref<!tpu.dma_semaphore, #tpu.memory_space<semaphore_mem>>)
      } else {
      }
      %mul3A_88 = arith.constant 62 : i32
      %mul3A_89 = arith.muli %arg0, %mul3A_88 : i32
      %add3A_90 = arith.constant 3 : i32
      %add3A_91 = arith.addi %mul3A_89, %add3A_90 : i32
      %lt3A_92 = arith.cmpi slt, %add3A_91, %min3A_5 : i32
      %convert_element_type3A_93 = arith.extui %lt3A_92 : i1 to i32
      %cond3A_94 = arith.constant 0 : i32
      %cond3A_95 = arith.cmpi ne, %convert_element_type3A_93, %cond3A_94 : i32
      scf.if %cond3A_95 {
        %mul3A_104 = arith.constant 4096 : i32
        %mul3A_105 = arith.muli %add3A_91, %mul3A_104 : i32
        %rem3A = arith.constant 6 : i32
        %rem3A_106 = arith.remsi %add3A_91, %rem3A : i32
        %rem3A_107 = arith.constant 6 : i32
        %rem3A_108 = arith.remsi %add3A_91, %rem3A_107 : i32
        %dma_start3A = arith.constant 0 : i32
        %dma_start3A_109 = tpu.memref_slice %arg15[%dma_start3A, %rem3A_108] : memref<4x6x!tpu.dma_semaphore, #tpu.memory_space<semaphore_mem>> -> memref<1x1x!tpu.dma_semaphore, #tpu.memory_space<semaphore_mem>>
        %dma_start3A_110 = tpu.memref_squeeze %dma_start3A_109 : memref<1x1x!tpu.dma_semaphore, #tpu.memory_space<semaphore_mem>> -> memref<!tpu.dma_semaphore, #tpu.memory_space<semaphore_mem>>
        %dma_start3A_111 = arith.constant 0 : i32
        %dma_start3A_112 = arith.constant 0 : i32
        %dma_start3A_113 = tpu.memref_slice %arg11[%rem3A_106, %dma_start3A_111, %dma_start3A_112] : memref<6x256x4096xf32, #tpu.memory_space<vmem>> -> memref<1x64x4096xf32, #tpu.memory_space<vmem>>
        %dma_start3A_114 = tpu.memref_squeeze %dma_start3A_113 : memref<1x64x4096xf32, #tpu.memory_space<vmem>> -> memref<64x4096xf32, #tpu.memory_space<vmem>>
        %dma_start3A_115 = arith.constant 0 : i32
        %dma_start3A_116 = tpu.memref_slice %arg5[%dma_start3A_115, %mul3A_105] : memref<256x1000000xf32, #tpu.memory_space<any>> -> memref<64x4096xf32, #tpu.memory_space<any>>
        tpu.enqueue_dma source(%dma_start3A_116 : memref<64x4096xf32, #tpu.memory_space<any>>) target(%dma_start3A_114 : memref<64x4096xf32, #tpu.memory_space<vmem>>) target_semaphore(%dma_start3A_110 : memref<!tpu.dma_semaphore, #tpu.memory_space<semaphore_mem>>)
        %mul3A_117 = arith.constant 4096 : i32
        %mul3A_118 = arith.muli %add3A_91, %mul3A_117 : i32
        %rem3A_119 = arith.constant 6 : i32
        %rem3A_120 = arith.remsi %add3A_91, %rem3A_119 : i32
        %rem3A_121 = arith.constant 6 : i32
        %rem3A_122 = arith.remsi %add3A_91, %rem3A_121 : i32
        %dma_start3A_123 = arith.constant 1 : i32
        %dma_start3A_124 = tpu.memref_slice %arg15[%dma_start3A_123, %rem3A_122] : memref<4x6x!tpu.dma_semaphore, #tpu.memory_space<semaphore_mem>> -> memref<1x1x!tpu.dma_semaphore, #tpu.memory_space<semaphore_mem>>
        %dma_start3A_125 = tpu.memref_squeeze %dma_start3A_124 : memref<1x1x!tpu.dma_semaphore, #tpu.memory_space<semaphore_mem>> -> memref<!tpu.dma_semaphore, #tpu.memory_space<semaphore_mem>>
        %dma_start3A_126 = arith.constant 64 : i32
        %dma_start3A_127 = arith.constant 0 : i32
        %dma_start3A_128 = tpu.memref_slice %arg11[%rem3A_120, %dma_start3A_126, %dma_start3A_127] : memref<6x256x4096xf32, #tpu.memory_space<vmem>> -> memref<1x64x4096xf32, #tpu.memory_space<vmem>>
        %dma_start3A_129 = tpu.memref_squeeze %dma_start3A_128 : memref<1x64x4096xf32, #tpu.memory_space<vmem>> -> memref<64x4096xf32, #tpu.memory_space<vmem>>
        %dma_start3A_130 = arith.constant 64 : i32
        %dma_start3A_131 = tpu.memref_slice %arg5[%dma_start3A_130, %mul3A_118] : memref<256x1000000xf32, #tpu.memory_space<any>> -> memref<64x4096xf32, #tpu.memory_space<any>>
        tpu.enqueue_dma source(%dma_start3A_131 : memref<64x4096xf32, #tpu.memory_space<any>>) target(%dma_start3A_129 : memref<64x4096xf32, #tpu.memory_space<vmem>>) target_semaphore(%dma_start3A_125 : memref<!tpu.dma_semaphore, #tpu.memory_space<semaphore_mem>>)
        %mul3A_132 = arith.constant 4096 : i32
        %mul3A_133 = arith.muli %add3A_91, %mul3A_132 : i32
        %rem3A_134 = arith.constant 6 : i32
        %rem3A_135 = arith.remsi %add3A_91, %rem3A_134 : i32
        %rem3A_136 = arith.constant 6 : i32
        %rem3A_137 = arith.remsi %add3A_91, %rem3A_136 : i32
        %dma_start3A_138 = arith.constant 2 : i32
        %dma_start3A_139 = tpu.memref_slice %arg15[%dma_start3A_138, %rem3A_137] : memref<4x6x!tpu.dma_semaphore, #tpu.memory_space<semaphore_mem>> -> memref<1x1x!tpu.dma_semaphore, #tpu.memory_space<semaphore_mem>>
        %dma_start3A_140 = tpu.memref_squeeze %dma_start3A_139 : memref<1x1x!tpu.dma_semaphore, #tpu.memory_space<semaphore_mem>> -> memref<!tpu.dma_semaphore, #tpu.memory_space<semaphore_mem>>
        %dma_start3A_141 = arith.constant 128 : i32
        %dma_start3A_142 = arith.constant 0 : i32
        %dma_start3A_143 = tpu.memref_slice %arg11[%rem3A_135, %dma_start3A_141, %dma_start3A_142] : memref<6x256x4096xf32, #tpu.memory_space<vmem>> -> memref<1x64x4096xf32, #tpu.memory_space<vmem>>
        %dma_start3A_144 = tpu.memref_squeeze %dma_start3A_143 : memref<1x64x4096xf32, #tpu.memory_space<vmem>> -> memref<64x4096xf32, #tpu.memory_space<vmem>>
        %dma_start3A_145 = arith.constant 128 : i32
        %dma_start3A_146 = tpu.memref_slice %arg5[%dma_start3A_145, %mul3A_133] : memref<256x1000000xf32, #tpu.memory_space<any>> -> memref<64x4096xf32, #tpu.memory_space<any>>
        tpu.enqueue_dma source(%dma_start3A_146 : memref<64x4096xf32, #tpu.memory_space<any>>) target(%dma_start3A_144 : memref<64x4096xf32, #tpu.memory_space<vmem>>) target_semaphore(%dma_start3A_140 : memref<!tpu.dma_semaphore, #tpu.memory_space<semaphore_mem>>)
        %mul3A_147 = arith.constant 4096 : i32
        %mul3A_148 = arith.muli %add3A_91, %mul3A_147 : i32
        %rem3A_149 = arith.constant 6 : i32
        %rem3A_150 = arith.remsi %add3A_91, %rem3A_149 : i32
        %rem3A_151 = arith.constant 6 : i32
        %rem3A_152 = arith.remsi %add3A_91, %rem3A_151 : i32
        %dma_start3A_153 = arith.constant 3 : i32
        %dma_start3A_154 = tpu.memref_slice %arg15[%dma_start3A_153, %rem3A_152] : memref<4x6x!tpu.dma_semaphore, #tpu.memory_space<semaphore_mem>> -> memref<1x1x!tpu.dma_semaphore, #tpu.memory_space<semaphore_mem>>
        %dma_start3A_155 = tpu.memref_squeeze %dma_start3A_154 : memref<1x1x!tpu.dma_semaphore, #tpu.memory_space<semaphore_mem>> -> memref<!tpu.dma_semaphore, #tpu.memory_space<semaphore_mem>>
        %dma_start3A_156 = arith.constant 192 : i32
        %dma_start3A_157 = arith.constant 0 : i32
        %dma_start3A_158 = tpu.memref_slice %arg11[%rem3A_150, %dma_start3A_156, %dma_start3A_157] : memref<6x256x4096xf32, #tpu.memory_space<vmem>> -> memref<1x64x4096xf32, #tpu.memory_space<vmem>>
        %dma_start3A_159 = tpu.memref_squeeze %dma_start3A_158 : memref<1x64x4096xf32, #tpu.memory_space<vmem>> -> memref<64x4096xf32, #tpu.memory_space<vmem>>
        %dma_start3A_160 = arith.constant 192 : i32
        %dma_start3A_161 = tpu.memref_slice %arg5[%dma_start3A_160, %mul3A_148] : memref<256x1000000xf32, #tpu.memory_space<any>> -> memref<64x4096xf32, #tpu.memory_space<any>>
        tpu.enqueue_dma source(%dma_start3A_161 : memref<64x4096xf32, #tpu.memory_space<any>>) target(%dma_start3A_159 : memref<64x4096xf32, #tpu.memory_space<vmem>>) target_semaphore(%dma_start3A_155 : memref<!tpu.dma_semaphore, #tpu.memory_space<semaphore_mem>>)
      } else {
      }
      %mul3A_96 = arith.constant 62 : i32
      %mul3A_97 = arith.muli %arg0, %mul3A_96 : i32
      %add3A_98 = arith.constant 4 : i32
      %add3A_99 = arith.addi %mul3A_97, %add3A_98 : i32
      %lt3A_100 = arith.cmpi slt, %add3A_99, %min3A_5 : i32
      %convert_element_type3A_101 = arith.extui %lt3A_100 : i1 to i32
      %cond3A_102 = arith.constant 0 : i32
      %cond3A_103 = arith.cmpi ne, %convert_element_type3A_101, %cond3A_102 : i32
      scf.if %cond3A_103 {
        %mul3A_104 = arith.constant 4096 : i32
        %mul3A_105 = arith.muli %add3A_99, %mul3A_104 : i32
        %rem3A = arith.constant 6 : i32
        %rem3A_106 = arith.remsi %add3A_99, %rem3A : i32
        %rem3A_107 = arith.constant 6 : i32
        %rem3A_108 = arith.remsi %add3A_99, %rem3A_107 : i32
        %dma_start3A = arith.constant 0 : i32
        %dma_start3A_109 = tpu.memref_slice %arg15[%dma_start3A, %rem3A_108] : memref<4x6x!tpu.dma_semaphore, #tpu.memory_space<semaphore_mem>> -> memref<1x1x!tpu.dma_semaphore, #tpu.memory_space<semaphore_mem>>
        %dma_start3A_110 = tpu.memref_squeeze %dma_start3A_109 : memref<1x1x!tpu.dma_semaphore, #tpu.memory_space<semaphore_mem>> -> memref<!tpu.dma_semaphore, #tpu.memory_space<semaphore_mem>>
        %dma_start3A_111 = arith.constant 0 : i32
        %dma_start3A_112 = arith.constant 0 : i32
        %dma_start3A_113 = tpu.memref_slice %arg11[%rem3A_106, %dma_start3A_111, %dma_start3A_112] : memref<6x256x4096xf32, #tpu.memory_space<vmem>> -> memref<1x64x4096xf32, #tpu.memory_space<vmem>>
        %dma_start3A_114 = tpu.memref_squeeze %dma_start3A_113 : memref<1x64x4096xf32, #tpu.memory_space<vmem>> -> memref<64x4096xf32, #tpu.memory_space<vmem>>
        %dma_start3A_115 = arith.constant 0 : i32
        %dma_start3A_116 = tpu.memref_slice %arg5[%dma_start3A_115, %mul3A_105] : memref<256x1000000xf32, #tpu.memory_space<any>> -> memref<64x4096xf32, #tpu.memory_space<any>>
        tpu.enqueue_dma source(%dma_start3A_116 : memref<64x4096xf32, #tpu.memory_space<any>>) target(%dma_start3A_114 : memref<64x4096xf32, #tpu.memory_space<vmem>>) target_semaphore(%dma_start3A_110 : memref<!tpu.dma_semaphore, #tpu.memory_space<semaphore_mem>>)
        %mul3A_117 = arith.constant 4096 : i32
        %mul3A_118 = arith.muli %add3A_99, %mul3A_117 : i32
        %rem3A_119 = arith.constant 6 : i32
        %rem3A_120 = arith.remsi %add3A_99, %rem3A_119 : i32
        %rem3A_121 = arith.constant 6 : i32
        %rem3A_122 = arith.remsi %add3A_99, %rem3A_121 : i32
        %dma_start3A_123 = arith.constant 1 : i32
        %dma_start3A_124 = tpu.memref_slice %arg15[%dma_start3A_123, %rem3A_122] : memref<4x6x!tpu.dma_semaphore, #tpu.memory_space<semaphore_mem>> -> memref<1x1x!tpu.dma_semaphore, #tpu.memory_space<semaphore_mem>>
        %dma_start3A_125 = tpu.memref_squeeze %dma_start3A_124 : memref<1x1x!tpu.dma_semaphore, #tpu.memory_space<semaphore_mem>> -> memref<!tpu.dma_semaphore, #tpu.memory_space<semaphore_mem>>
        %dma_start3A_126 = arith.constant 64 : i32
        %dma_start3A_127 = arith.constant 0 : i32
        %dma_start3A_128 = tpu.memref_slice %arg11[%rem3A_120, %dma_start3A_126, %dma_start3A_127] : memref<6x256x4096xf32, #tpu.memory_space<vmem>> -> memref<1x64x4096xf32, #tpu.memory_space<vmem>>
        %dma_start3A_129 = tpu.memref_squeeze %dma_start3A_128 : memref<1x64x4096xf32, #tpu.memory_space<vmem>> -> memref<64x4096xf32, #tpu.memory_space<vmem>>
        %dma_start3A_130 = arith.constant 64 : i32
        %dma_start3A_131 = tpu.memref_slice %arg5[%dma_start3A_130, %mul3A_118] : memref<256x1000000xf32, #tpu.memory_space<any>> -> memref<64x4096xf32, #tpu.memory_space<any>>
        tpu.enqueue_dma source(%dma_start3A_131 : memref<64x4096xf32, #tpu.memory_space<any>>) target(%dma_start3A_129 : memref<64x4096xf32, #tpu.memory_space<vmem>>) target_semaphore(%dma_start3A_125 : memref<!tpu.dma_semaphore, #tpu.memory_space<semaphore_mem>>)
        %mul3A_132 = arith.constant 4096 : i32
        %mul3A_133 = arith.muli %add3A_99, %mul3A_132 : i32
        %rem3A_134 = arith.constant 6 : i32
        %rem3A_135 = arith.remsi %add3A_99, %rem3A_134 : i32
        %rem3A_136 = arith.constant 6 : i32
        %rem3A_137 = arith.remsi %add3A_99, %rem3A_136 : i32
        %dma_start3A_138 = arith.constant 2 : i32
        %dma_start3A_139 = tpu.memref_slice %arg15[%dma_start3A_138, %rem3A_137] : memref<4x6x!tpu.dma_semaphore, #tpu.memory_space<semaphore_mem>> -> memref<1x1x!tpu.dma_semaphore, #tpu.memory_space<semaphore_mem>>
        %dma_start3A_140 = tpu.memref_squeeze %dma_start3A_139 : memref<1x1x!tpu.dma_semaphore, #tpu.memory_space<semaphore_mem>> -> memref<!tpu.dma_semaphore, #tpu.memory_space<semaphore_mem>>
        %dma_start3A_141 = arith.constant 128 : i32
        %dma_start3A_142 = arith.constant 0 : i32
        %dma_start3A_143 = tpu.memref_slice %arg11[%rem3A_135, %dma_start3A_141, %dma_start3A_142] : memref<6x256x4096xf32, #tpu.memory_space<vmem>> -> memref<1x64x4096xf32, #tpu.memory_space<vmem>>
        %dma_start3A_144 = tpu.memref_squeeze %dma_start3A_143 : memref<1x64x4096xf32, #tpu.memory_space<vmem>> -> memref<64x4096xf32, #tpu.memory_space<vmem>>
        %dma_start3A_145 = arith.constant 128 : i32
        %dma_start3A_146 = tpu.memref_slice %arg5[%dma_start3A_145, %mul3A_133] : memref<256x1000000xf32, #tpu.memory_space<any>> -> memref<64x4096xf32, #tpu.memory_space<any>>
        tpu.enqueue_dma source(%dma_start3A_146 : memref<64x4096xf32, #tpu.memory_space<any>>) target(%dma_start3A_144 : memref<64x4096xf32, #tpu.memory_space<vmem>>) target_semaphore(%dma_start3A_140 : memref<!tpu.dma_semaphore, #tpu.memory_space<semaphore_mem>>)
        %mul3A_147 = arith.constant 4096 : i32
        %mul3A_148 = arith.muli %add3A_99, %mul3A_147 : i32
        %rem3A_149 = arith.constant 6 : i32
        %rem3A_150 = arith.remsi %add3A_99, %rem3A_149 : i32
        %rem3A_151 = arith.constant 6 : i32
        %rem3A_152 = arith.remsi %add3A_99, %rem3A_151 : i32
        %dma_start3A_153 = arith.constant 3 : i32
        %dma_start3A_154 = tpu.memref_slice %arg15[%dma_start3A_153, %rem3A_152] : memref<4x6x!tpu.dma_semaphore, #tpu.memory_space<semaphore_mem>> -> memref<1x1x!tpu.dma_semaphore, #tpu.memory_space<semaphore_mem>>
        %dma_start3A_155 = tpu.memref_squeeze %dma_start3A_154 : memref<1x1x!tpu.dma_semaphore, #tpu.memory_space<semaphore_mem>> -> memref<!tpu.dma_semaphore, #tpu.memory_space<semaphore_mem>>
        %dma_start3A_156 = arith.constant 192 : i32
        %dma_start3A_157 = arith.constant 0 : i32
        %dma_start3A_158 = tpu.memref_slice %arg11[%rem3A_150, %dma_start3A_156, %dma_start3A_157] : memref<6x256x4096xf32, #tpu.memory_space<vmem>> -> memref<1x64x4096xf32, #tpu.memory_space<vmem>>
        %dma_start3A_159 = tpu.memref_squeeze %dma_start3A_158 : memref<1x64x4096xf32, #tpu.memory_space<vmem>> -> memref<64x4096xf32, #tpu.memory_space<vmem>>
        %dma_start3A_160 = arith.constant 192 : i32
        %dma_start3A_161 = tpu.memref_slice %arg5[%dma_start3A_160, %mul3A_148] : memref<256x1000000xf32, #tpu.memory_space<any>> -> memref<64x4096xf32, #tpu.memory_space<any>>
        tpu.enqueue_dma source(%dma_start3A_161 : memref<64x4096xf32, #tpu.memory_space<any>>) target(%dma_start3A_159 : memref<64x4096xf32, #tpu.memory_space<vmem>>) target_semaphore(%dma_start3A_155 : memref<!tpu.dma_semaphore, #tpu.memory_space<semaphore_mem>>)
      } else {
      }
    } else {
    }
    %add3A_8 = arith.constant 6 : i32
    %add3A_9 = arith.addi %add3A, %add3A_8 : i32
    %sub3A = arith.constant 1 : i32
    %sub3A_10 = arith.subi %add3A_9, %sub3A : i32
    %lt3A = arith.cmpi slt, %sub3A_10, %min3A_5 : i32
    %convert_element_type3A_11 = arith.extui %lt3A : i1 to i32
    %cond3A_12 = arith.constant 0 : i32
    %cond3A_13 = arith.cmpi ne, %convert_element_type3A_11, %cond3A_12 : i32
    scf.if %cond3A_13 {
      %mul3A_34 = arith.constant 4096 : i32
      %mul3A_35 = arith.muli %sub3A_10, %mul3A_34 : i32
      %rem3A = arith.constant 6 : i32
      %rem3A_36 = arith.remsi %sub3A_10, %rem3A : i32
      %rem3A_37 = arith.constant 6 : i32
      %rem3A_38 = arith.remsi %sub3A_10, %rem3A_37 : i32
      %dma_start3A = arith.constant 0 : i32
      %dma_start3A_39 = tpu.memref_slice %arg15[%dma_start3A, %rem3A_38] : memref<4x6x!tpu.dma_semaphore, #tpu.memory_space<semaphore_mem>> -> memref<1x1x!tpu.dma_semaphore, #tpu.memory_space<semaphore_mem>>
      %dma_start3A_40 = tpu.memref_squeeze %dma_start3A_39 : memref<1x1x!tpu.dma_semaphore, #tpu.memory_space<semaphore_mem>> -> memref<!tpu.dma_semaphore, #tpu.memory_space<semaphore_mem>>
      %dma_start3A_41 = arith.constant 0 : i32
      %dma_start3A_42 = arith.constant 0 : i32
      %dma_start3A_43 = tpu.memref_slice %arg11[%rem3A_36, %dma_start3A_41, %dma_start3A_42] : memref<6x256x4096xf32, #tpu.memory_space<vmem>> -> memref<1x64x4096xf32, #tpu.memory_space<vmem>>
      %dma_start3A_44 = tpu.memref_squeeze %dma_start3A_43 : memref<1x64x4096xf32, #tpu.memory_space<vmem>> -> memref<64x4096xf32, #tpu.memory_space<vmem>>
      %dma_start3A_45 = arith.constant 0 : i32
      %dma_start3A_46 = tpu.memref_slice %arg5[%dma_start3A_45, %mul3A_35] : memref<256x1000000xf32, #tpu.memory_space<any>> -> memref<64x4096xf32, #tpu.memory_space<any>>
      tpu.enqueue_dma source(%dma_start3A_46 : memref<64x4096xf32, #tpu.memory_space<any>>) target(%dma_start3A_44 : memref<64x4096xf32, #tpu.memory_space<vmem>>) target_semaphore(%dma_start3A_40 : memref<!tpu.dma_semaphore, #tpu.memory_space<semaphore_mem>>)
      %mul3A_47 = arith.constant 4096 : i32
      %mul3A_48 = arith.muli %sub3A_10, %mul3A_47 : i32
      %rem3A_49 = arith.constant 6 : i32
      %rem3A_50 = arith.remsi %sub3A_10, %rem3A_49 : i32
      %rem3A_51 = arith.constant 6 : i32
      %rem3A_52 = arith.remsi %sub3A_10, %rem3A_51 : i32
      %dma_start3A_53 = arith.constant 1 : i32
      %dma_start3A_54 = tpu.memref_slice %arg15[%dma_start3A_53, %rem3A_52] : memref<4x6x!tpu.dma_semaphore, #tpu.memory_space<semaphore_mem>> -> memref<1x1x!tpu.dma_semaphore, #tpu.memory_space<semaphore_mem>>
      %dma_start3A_55 = tpu.memref_squeeze %dma_start3A_54 : memref<1x1x!tpu.dma_semaphore, #tpu.memory_space<semaphore_mem>> -> memref<!tpu.dma_semaphore, #tpu.memory_space<semaphore_mem>>
      %dma_start3A_56 = arith.constant 64 : i32
      %dma_start3A_57 = arith.constant 0 : i32
      %dma_start3A_58 = tpu.memref_slice %arg11[%rem3A_50, %dma_start3A_56, %dma_start3A_57] : memref<6x256x4096xf32, #tpu.memory_space<vmem>> -> memref<1x64x4096xf32, #tpu.memory_space<vmem>>
      %dma_start3A_59 = tpu.memref_squeeze %dma_start3A_58 : memref<1x64x4096xf32, #tpu.memory_space<vmem>> -> memref<64x4096xf32, #tpu.memory_space<vmem>>
      %dma_start3A_60 = arith.constant 64 : i32
      %dma_start3A_61 = tpu.memref_slice %arg5[%dma_start3A_60, %mul3A_48] : memref<256x1000000xf32, #tpu.memory_space<any>> -> memref<64x4096xf32, #tpu.memory_space<any>>
      tpu.enqueue_dma source(%dma_start3A_61 : memref<64x4096xf32, #tpu.memory_space<any>>) target(%dma_start3A_59 : memref<64x4096xf32, #tpu.memory_space<vmem>>) target_semaphore(%dma_start3A_55 : memref<!tpu.dma_semaphore, #tpu.memory_space<semaphore_mem>>)
      %mul3A_62 = arith.constant 4096 : i32
      %mul3A_63 = arith.muli %sub3A_10, %mul3A_62 : i32
      %rem3A_64 = arith.constant 6 : i32
      %rem3A_65 = arith.remsi %sub3A_10, %rem3A_64 : i32
      %rem3A_66 = arith.constant 6 : i32
      %rem3A_67 = arith.remsi %sub3A_10, %rem3A_66 : i32
      %dma_start3A_68 = arith.constant 2 : i32
      %dma_start3A_69 = tpu.memref_slice %arg15[%dma_start3A_68, %rem3A_67] : memref<4x6x!tpu.dma_semaphore, #tpu.memory_space<semaphore_mem>> -> memref<1x1x!tpu.dma_semaphore, #tpu.memory_space<semaphore_mem>>
      %dma_start3A_70 = tpu.memref_squeeze %dma_start3A_69 : memref<1x1x!tpu.dma_semaphore, #tpu.memory_space<semaphore_mem>> -> memref<!tpu.dma_semaphore, #tpu.memory_space<semaphore_mem>>
      %dma_start3A_71 = arith.constant 128 : i32
      %dma_start3A_72 = arith.constant 0 : i32
      %dma_start3A_73 = tpu.memref_slice %arg11[%rem3A_65, %dma_start3A_71, %dma_start3A_72] : memref<6x256x4096xf32, #tpu.memory_space<vmem>> -> memref<1x64x4096xf32, #tpu.memory_space<vmem>>
      %dma_start3A_74 = tpu.memref_squeeze %dma_start3A_73 : memref<1x64x4096xf32, #tpu.memory_space<vmem>> -> memref<64x4096xf32, #tpu.memory_space<vmem>>
      %dma_start3A_75 = arith.constant 128 : i32
      %dma_start3A_76 = tpu.memref_slice %arg5[%dma_start3A_75, %mul3A_63] : memref<256x1000000xf32, #tpu.memory_space<any>> -> memref<64x4096xf32, #tpu.memory_space<any>>
      tpu.enqueue_dma source(%dma_start3A_76 : memref<64x4096xf32, #tpu.memory_space<any>>) target(%dma_start3A_74 : memref<64x4096xf32, #tpu.memory_space<vmem>>) target_semaphore(%dma_start3A_70 : memref<!tpu.dma_semaphore, #tpu.memory_space<semaphore_mem>>)
      %mul3A_77 = arith.constant 4096 : i32
      %mul3A_78 = arith.muli %sub3A_10, %mul3A_77 : i32
      %rem3A_79 = arith.constant 6 : i32
      %rem3A_80 = arith.remsi %sub3A_10, %rem3A_79 : i32
      %rem3A_81 = arith.constant 6 : i32
      %rem3A_82 = arith.remsi %sub3A_10, %rem3A_81 : i32
      %dma_start3A_83 = arith.constant 3 : i32
      %dma_start3A_84 = tpu.memref_slice %arg15[%dma_start3A_83, %rem3A_82] : memref<4x6x!tpu.dma_semaphore, #tpu.memory_space<semaphore_mem>> -> memref<1x1x!tpu.dma_semaphore, #tpu.memory_space<semaphore_mem>>
      %dma_start3A_85 = tpu.memref_squeeze %dma_start3A_84 : memref<1x1x!tpu.dma_semaphore, #tpu.memory_space<semaphore_mem>> -> memref<!tpu.dma_semaphore, #tpu.memory_space<semaphore_mem>>
      %dma_start3A_86 = arith.constant 192 : i32
      %dma_start3A_87 = arith.constant 0 : i32
      %dma_start3A_88 = tpu.memref_slice %arg11[%rem3A_80, %dma_start3A_86, %dma_start3A_87] : memref<6x256x4096xf32, #tpu.memory_space<vmem>> -> memref<1x64x4096xf32, #tpu.memory_space<vmem>>
      %dma_start3A_89 = tpu.memref_squeeze %dma_start3A_88 : memref<1x64x4096xf32, #tpu.memory_space<vmem>> -> memref<64x4096xf32, #tpu.memory_space<vmem>>
      %dma_start3A_90 = arith.constant 192 : i32
      %dma_start3A_91 = tpu.memref_slice %arg5[%dma_start3A_90, %mul3A_78] : memref<256x1000000xf32, #tpu.memory_space<any>> -> memref<64x4096xf32, #tpu.memory_space<any>>
      tpu.enqueue_dma source(%dma_start3A_91 : memref<64x4096xf32, #tpu.memory_space<any>>) target(%dma_start3A_89 : memref<64x4096xf32, #tpu.memory_space<vmem>>) target_semaphore(%dma_start3A_85 : memref<!tpu.dma_semaphore, #tpu.memory_space<semaphore_mem>>)
    } else {
    }
    %lt3A_14 = arith.constant 244 : i32
    %lt3A_15 = arith.cmpi slt, %add3A, %lt3A_14 : i32
    %convert_element_type3A_16 = arith.extui %lt3A_15 : i1 to i32
    %cond3A_17 = arith.constant 0 : i32
    %cond3A_18 = arith.cmpi ne, %convert_element_type3A_16, %cond3A_17 : i32
    scf.if %cond3A_18 {
      %mul3A_34 = arith.constant 4096 : i32
      %mul3A_35 = arith.muli %add3A, %mul3A_34 : i32
      %rem3A = arith.constant 6 : i32
      %rem3A_36 = arith.remsi %add3A, %rem3A : i32
      %rem3A_37 = arith.constant 6 : i32
      %rem3A_38 = arith.remsi %add3A, %rem3A_37 : i32
      %dma_wait3A = arith.constant 0 : i32
      %dma_wait3A_39 = tpu.memref_slice %arg15[%dma_wait3A, %rem3A_38] : memref<4x6x!tpu.dma_semaphore, #tpu.memory_space<semaphore_mem>> -> memref<1x1x!tpu.dma_semaphore, #tpu.memory_space<semaphore_mem>>
      %dma_wait3A_40 = tpu.memref_squeeze %dma_wait3A_39 : memref<1x1x!tpu.dma_semaphore, #tpu.memory_space<semaphore_mem>> -> memref<!tpu.dma_semaphore, #tpu.memory_space<semaphore_mem>>
      %dma_wait3A_41 = arith.constant 0 : i32
      %dma_wait3A_42 = arith.constant 0 : i32
      %dma_wait3A_43 = tpu.memref_slice %arg11[%rem3A_36, %dma_wait3A_41, %dma_wait3A_42] : memref<6x256x4096xf32, #tpu.memory_space<vmem>> -> memref<1x64x4096xf32, #tpu.memory_space<vmem>>
      %dma_wait3A_44 = tpu.memref_squeeze %dma_wait3A_43 : memref<1x64x4096xf32, #tpu.memory_space<vmem>> -> memref<64x4096xf32, #tpu.memory_space<vmem>>
      %dma_wait3A_45 = arith.constant 0 : i32
      %dma_wait3A_46 = tpu.memref_slice %arg5[%dma_wait3A_45, %mul3A_35] : memref<256x1000000xf32, #tpu.memory_space<any>> -> memref<64x4096xf32, #tpu.memory_space<any>>
      tpu.wait_dma2 semaphore(%dma_wait3A_40 : memref<!tpu.dma_semaphore, #tpu.memory_space<semaphore_mem>>) src(%dma_wait3A_46 : memref<64x4096xf32, #tpu.memory_space<any>>) dst(%dma_wait3A_44 : memref<64x4096xf32, #tpu.memory_space<vmem>>)
      %mul3A_47 = arith.constant 4096 : i32
      %mul3A_48 = arith.muli %add3A, %mul3A_47 : i32
      %rem3A_49 = arith.constant 6 : i32
      %rem3A_50 = arith.remsi %add3A, %rem3A_49 : i32
      %rem3A_51 = arith.constant 6 : i32
      %rem3A_52 = arith.remsi %add3A, %rem3A_51 : i32
      %dma_wait3A_53 = arith.constant 1 : i32
      %dma_wait3A_54 = tpu.memref_slice %arg15[%dma_wait3A_53, %rem3A_52] : memref<4x6x!tpu.dma_semaphore, #tpu.memory_space<semaphore_mem>> -> memref<1x1x!tpu.dma_semaphore, #tpu.memory_space<semaphore_mem>>
      %dma_wait3A_55 = tpu.memref_squeeze %dma_wait3A_54 : memref<1x1x!tpu.dma_semaphore, #tpu.memory_space<semaphore_mem>> -> memref<!tpu.dma_semaphore, #tpu.memory_space<semaphore_mem>>
      %dma_wait3A_56 = arith.constant 64 : i32
      %dma_wait3A_57 = arith.constant 0 : i32
      %dma_wait3A_58 = tpu.memref_slice %arg11[%rem3A_50, %dma_wait3A_56, %dma_wait3A_57] : memref<6x256x4096xf32, #tpu.memory_space<vmem>> -> memref<1x64x4096xf32, #tpu.memory_space<vmem>>
      %dma_wait3A_59 = tpu.memref_squeeze %dma_wait3A_58 : memref<1x64x4096xf32, #tpu.memory_space<vmem>> -> memref<64x4096xf32, #tpu.memory_space<vmem>>
      %dma_wait3A_60 = arith.constant 64 : i32
      %dma_wait3A_61 = tpu.memref_slice %arg5[%dma_wait3A_60, %mul3A_48] : memref<256x1000000xf32, #tpu.memory_space<any>> -> memref<64x4096xf32, #tpu.memory_space<any>>
      tpu.wait_dma2 semaphore(%dma_wait3A_55 : memref<!tpu.dma_semaphore, #tpu.memory_space<semaphore_mem>>) src(%dma_wait3A_61 : memref<64x4096xf32, #tpu.memory_space<any>>) dst(%dma_wait3A_59 : memref<64x4096xf32, #tpu.memory_space<vmem>>)
      %mul3A_62 = arith.constant 4096 : i32
      %mul3A_63 = arith.muli %add3A, %mul3A_62 : i32
      %rem3A_64 = arith.constant 6 : i32
      %rem3A_65 = arith.remsi %add3A, %rem3A_64 : i32
      %rem3A_66 = arith.constant 6 : i32
      %rem3A_67 = arith.remsi %add3A, %rem3A_66 : i32
      %dma_wait3A_68 = arith.constant 2 : i32
      %dma_wait3A_69 = tpu.memref_slice %arg15[%dma_wait3A_68, %rem3A_67] : memref<4x6x!tpu.dma_semaphore, #tpu.memory_space<semaphore_mem>> -> memref<1x1x!tpu.dma_semaphore, #tpu.memory_space<semaphore_mem>>
      %dma_wait3A_70 = tpu.memref_squeeze %dma_wait3A_69 : memref<1x1x!tpu.dma_semaphore, #tpu.memory_space<semaphore_mem>> -> memref<!tpu.dma_semaphore, #tpu.memory_space<semaphore_mem>>
      %dma_wait3A_71 = arith.constant 128 : i32
      %dma_wait3A_72 = arith.constant 0 : i32
      %dma_wait3A_73 = tpu.memref_slice %arg11[%rem3A_65, %dma_wait3A_71, %dma_wait3A_72] : memref<6x256x4096xf32, #tpu.memory_space<vmem>> -> memref<1x64x4096xf32, #tpu.memory_space<vmem>>
      %dma_wait3A_74 = tpu.memref_squeeze %dma_wait3A_73 : memref<1x64x4096xf32, #tpu.memory_space<vmem>> -> memref<64x4096xf32, #tpu.memory_space<vmem>>
      %dma_wait3A_75 = arith.constant 128 : i32
      %dma_wait3A_76 = tpu.memref_slice %arg5[%dma_wait3A_75, %mul3A_63] : memref<256x1000000xf32, #tpu.memory_space<any>> -> memref<64x4096xf32, #tpu.memory_space<any>>
      tpu.wait_dma2 semaphore(%dma_wait3A_70 : memref<!tpu.dma_semaphore, #tpu.memory_space<semaphore_mem>>) src(%dma_wait3A_76 : memref<64x4096xf32, #tpu.memory_space<any>>) dst(%dma_wait3A_74 : memref<64x4096xf32, #tpu.memory_space<vmem>>)
      %mul3A_77 = arith.constant 4096 : i32
      %mul3A_78 = arith.muli %add3A, %mul3A_77 : i32
      %rem3A_79 = arith.constant 6 : i32
      %rem3A_80 = arith.remsi %add3A, %rem3A_79 : i32
      %rem3A_81 = arith.constant 6 : i32
      %rem3A_82 = arith.remsi %add3A, %rem3A_81 : i32
      %dma_wait3A_83 = arith.constant 3 : i32
      %dma_wait3A_84 = tpu.memref_slice %arg15[%dma_wait3A_83, %rem3A_82] : memref<4x6x!tpu.dma_semaphore, #tpu.memory_space<semaphore_mem>> -> memref<1x1x!tpu.dma_semaphore, #tpu.memory_space<semaphore_mem>>
      %dma_wait3A_85 = tpu.memref_squeeze %dma_wait3A_84 : memref<1x1x!tpu.dma_semaphore, #tpu.memory_space<semaphore_mem>> -> memref<!tpu.dma_semaphore, #tpu.memory_space<semaphore_mem>>
      %dma_wait3A_86 = arith.constant 192 : i32
      %dma_wait3A_87 = arith.constant 0 : i32
      %dma_wait3A_88 = tpu.memref_slice %arg11[%rem3A_80, %dma_wait3A_86, %dma_wait3A_87] : memref<6x256x4096xf32, #tpu.memory_space<vmem>> -> memref<1x64x4096xf32, #tpu.memory_space<vmem>>
      %dma_wait3A_89 = tpu.memref_squeeze %dma_wait3A_88 : memref<1x64x4096xf32, #tpu.memory_space<vmem>> -> memref<64x4096xf32, #tpu.memory_space<vmem>>
      %dma_wait3A_90 = arith.constant 192 : i32
      %dma_wait3A_91 = tpu.memref_slice %arg5[%dma_wait3A_90, %mul3A_78] : memref<256x1000000xf32, #tpu.memory_space<any>> -> memref<64x4096xf32, #tpu.memory_space<any>>
      tpu.wait_dma2 semaphore(%dma_wait3A_85 : memref<!tpu.dma_semaphore, #tpu.memory_space<semaphore_mem>>) src(%dma_wait3A_91 : memref<64x4096xf32, #tpu.memory_space<any>>) dst(%dma_wait3A_89 : memref<64x4096xf32, #tpu.memory_space<vmem>>)
    } else {
    }
    %lt3A_19 = arith.constant 244 : i32
    %lt3A_20 = arith.cmpi slt, %add3A, %lt3A_19 : i32
    %convert_element_type3A_21 = arith.extui %lt3A_20 : i1 to i32
    %cond3A_22 = arith.constant 0 : i32
    %cond3A_23 = arith.cmpi ne, %convert_element_type3A_21, %cond3A_22 : i32
    scf.if %cond3A_23 {
      %rem3A = arith.constant 6 : i32
      %rem3A_34 = arith.remsi %add3A, %rem3A : i32
      %get3A = arith.constant 0 : index
      %get3A_35 = arith.constant 0 : index
      %get3A_36 = vector.load %arg12[%get3A, %get3A_35] : memref<256x1xf32, #tpu.memory_space<vmem>>, vector<8x1xf32>
      %get3A_37 = arith.index_cast %rem3A_34 : i32 to index
      %get3A_38 = arith.constant 0 : index
      %get3A_39 = arith.constant 0 : index
      %get3A_40 = vector.load %arg11[%get3A_37, %get3A_38, %get3A_39] : memref<6x256x4096xf32, #tpu.memory_space<vmem>>, vector<1x8x4096xf32>
      %get3A_41 = vector.shape_cast %get3A_40 : vector<1x8x4096xf32> to vector<8x4096xf32>
      %mul3A_42 = vector.broadcast %get3A_36 : vector<8x1xf32> to vector<8x4096xf32>
      %mul3A_43 = arith.mulf %mul3A_42, %get3A_41 : vector<8x4096xf32>
      %get3A_44 = arith.constant 8 : index
      %get3A_45 = arith.constant 0 : index
      %get3A_46 = vector.load %arg12[%get3A_44, %get3A_45] : memref<256x1xf32, #tpu.memory_space<vmem>>, vector<8x1xf32>
      %get3A_47 = arith.index_cast %rem3A_34 : i32 to index
      %get3A_48 = arith.constant 8 : index
      %get3A_49 = arith.constant 0 : index
      %get3A_50 = vector.load %arg11[%get3A_47, %get3A_48, %get3A_49] : memref<6x256x4096xf32, #tpu.memory_space<vmem>>, vector<1x8x4096xf32>
      %get3A_51 = vector.shape_cast %get3A_50 : vector<1x8x4096xf32> to vector<8x4096xf32>
      %mul3A_52 = vector.broadcast %get3A_46 : vector<8x1xf32> to vector<8x4096xf32>
      %mul3A_53 = arith.mulf %mul3A_52, %get3A_51 : vector<8x4096xf32>
      %add3A_54 = arith.addf %mul3A_43, %mul3A_53 : vector<8x4096xf32>
      %get3A_55 = arith.constant 16 : index
      %get3A_56 = arith.constant 0 : index
      %get3A_57 = vector.load %arg12[%get3A_55, %get3A_56] : memref<256x1xf32, #tpu.memory_space<vmem>>, vector<8x1xf32>
      %get3A_58 = arith.index_cast %rem3A_34 : i32 to index
      %get3A_59 = arith.constant 16 : index
      %get3A_60 = arith.constant 0 : index
      %get3A_61 = vector.load %arg11[%get3A_58, %get3A_59, %get3A_60] : memref<6x256x4096xf32, #tpu.memory_space<vmem>>, vector<1x8x4096xf32>
      %get3A_62 = vector.shape_cast %get3A_61 : vector<1x8x4096xf32> to vector<8x4096xf32>
      %mul3A_63 = vector.broadcast %get3A_57 : vector<8x1xf32> to vector<8x4096xf32>
      %mul3A_64 = arith.mulf %mul3A_63, %get3A_62 : vector<8x4096xf32>
      %add3A_65 = arith.addf %add3A_54, %mul3A_64 : vector<8x4096xf32>
      %get3A_66 = arith.constant 24 : index
      %get3A_67 = arith.constant 0 : index
      %get3A_68 = vector.load %arg12[%get3A_66, %get3A_67] : memref<256x1xf32, #tpu.memory_space<vmem>>, vector<8x1xf32>
      %get3A_69 = arith.index_cast %rem3A_34 : i32 to index
      %get3A_70 = arith.constant 24 : index
      %get3A_71 = arith.constant 0 : index
      %get3A_72 = vector.load %arg11[%get3A_69, %get3A_70, %get3A_71] : memref<6x256x4096xf32, #tpu.memory_space<vmem>>, vector<1x8x4096xf32>
      %get3A_73 = vector.shape_cast %get3A_72 : vector<1x8x4096xf32> to vector<8x4096xf32>
      %mul3A_74 = vector.broadcast %get3A_68 : vector<8x1xf32> to vector<8x4096xf32>
      %mul3A_75 = arith.mulf %mul3A_74, %get3A_73 : vector<8x4096xf32>
      %add3A_76 = arith.addf %add3A_65, %mul3A_75 : vector<8x4096xf32>
      %get3A_77 = arith.constant 32 : index
      %get3A_78 = arith.constant 0 : index
      %get3A_79 = vector.load %arg12[%get3A_77, %get3A_78] : memref<256x1xf32, #tpu.memory_space<vmem>>, vector<8x1xf32>
      %get3A_80 = arith.index_cast %rem3A_34 : i32 to index
      %get3A_81 = arith.constant 32 : index
      %get3A_82 = arith.constant 0 : index
      %get3A_83 = vector.load %arg11[%get3A_80, %get3A_81, %get3A_82] : memref<6x256x4096xf32, #tpu.memory_space<vmem>>, vector<1x8x4096xf32>
      %get3A_84 = vector.shape_cast %get3A_83 : vector<1x8x4096xf32> to vector<8x4096xf32>
      %mul3A_85 = vector.broadcast %get3A_79 : vector<8x1xf32> to vector<8x4096xf32>
      %mul3A_86 = arith.mulf %mul3A_85, %get3A_84 : vector<8x4096xf32>
      %add3A_87 = arith.addf %add3A_76, %mul3A_86 : vector<8x4096xf32>
      %get3A_88 = arith.constant 40 : index
      %get3A_89 = arith.constant 0 : index
      %get3A_90 = vector.load %arg12[%get3A_88, %get3A_89] : memref<256x1xf32, #tpu.memory_space<vmem>>, vector<8x1xf32>
      %get3A_91 = arith.index_cast %rem3A_34 : i32 to index
      %get3A_92 = arith.constant 40 : index
      %get3A_93 = arith.constant 0 : index
      %get3A_94 = vector.load %arg11[%get3A_91, %get3A_92, %get3A_93] : memref<6x256x4096xf32, #tpu.memory_space<vmem>>, vector<1x8x4096xf32>
      %get3A_95 = vector.shape_cast %get3A_94 : vector<1x8x4096xf32> to vector<8x4096xf32>
      %mul3A_96 = vector.broadcast %get3A_90 : vector<8x1xf32> to vector<8x4096xf32>
      %mul3A_97 = arith.mulf %mul3A_96, %get3A_95 : vector<8x4096xf32>
      %add3A_98 = arith.addf %add3A_87, %mul3A_97 : vector<8x4096xf32>
      %get3A_99 = arith.constant 48 : index
      %get3A_100 = arith.constant 0 : index
      %get3A_101 = vector.load %arg12[%get3A_99, %get3A_100] : memref<256x1xf32, #tpu.memory_space<vmem>>, vector<8x1xf32>
      %get3A_102 = arith.index_cast %rem3A_34 : i32 to index
      %get3A_103 = arith.constant 48 : index
      %get3A_104 = arith.constant 0 : index
      %get3A_105 = vector.load %arg11[%get3A_102, %get3A_103, %get3A_104] : memref<6x256x4096xf32, #tpu.memory_space<vmem>>, vector<1x8x4096xf32>
      %get3A_106 = vector.shape_cast %get3A_105 : vector<1x8x4096xf32> to vector<8x4096xf32>
      %mul3A_107 = vector.broadcast %get3A_101 : vector<8x1xf32> to vector<8x4096xf32>
      %mul3A_108 = arith.mulf %mul3A_107, %get3A_106 : vector<8x4096xf32>
      %add3A_109 = arith.addf %add3A_98, %mul3A_108 : vector<8x4096xf32>
      %get3A_110 = arith.constant 56 : index
      %get3A_111 = arith.constant 0 : index
      %get3A_112 = vector.load %arg12[%get3A_110, %get3A_111] : memref<256x1xf32, #tpu.memory_space<vmem>>, vector<8x1xf32>
      %get3A_113 = arith.index_cast %rem3A_34 : i32 to index
      %get3A_114 = arith.constant 56 : index
      %get3A_115 = arith.constant 0 : index
      %get3A_116 = vector.load %arg11[%get3A_113, %get3A_114, %get3A_115] : memref<6x256x4096xf32, #tpu.memory_space<vmem>>, vector<1x8x4096xf32>
      %get3A_117 = vector.shape_cast %get3A_116 : vector<1x8x4096xf32> to vector<8x4096xf32>
      %mul3A_118 = vector.broadcast %get3A_112 : vector<8x1xf32> to vector<8x4096xf32>
      %mul3A_119 = arith.mulf %mul3A_118, %get3A_117 : vector<8x4096xf32>
      %add3A_120 = arith.addf %add3A_109, %mul3A_119 : vector<8x4096xf32>
      %get3A_121 = arith.constant 64 : index
      %get3A_122 = arith.constant 0 : index
      %get3A_123 = vector.load %arg12[%get3A_121, %get3A_122] : memref<256x1xf32, #tpu.memory_space<vmem>>, vector<8x1xf32>
      %get3A_124 = arith.index_cast %rem3A_34 : i32 to index
      %get3A_125 = arith.constant 64 : index
      %get3A_126 = arith.constant 0 : index
      %get3A_127 = vector.load %arg11[%get3A_124, %get3A_125, %get3A_126] : memref<6x256x4096xf32, #tpu.memory_space<vmem>>, vector<1x8x4096xf32>
      %get3A_128 = vector.shape_cast %get3A_127 : vector<1x8x4096xf32> to vector<8x4096xf32>
      %mul3A_129 = vector.broadcast %get3A_123 : vector<8x1xf32> to vector<8x4096xf32>
      %mul3A_130 = arith.mulf %mul3A_129, %get3A_128 : vector<8x4096xf32>
      %add3A_131 = arith.addf %add3A_120, %mul3A_130 : vector<8x4096xf32>
      %get3A_132 = arith.constant 72 : index
      %get3A_133 = arith.constant 0 : index
      %get3A_134 = vector.load %arg12[%get3A_132, %get3A_133] : memref<256x1xf32, #tpu.memory_space<vmem>>, vector<8x1xf32>
      %get3A_135 = arith.index_cast %rem3A_34 : i32 to index
      %get3A_136 = arith.constant 72 : index
      %get3A_137 = arith.constant 0 : index
      %get3A_138 = vector.load %arg11[%get3A_135, %get3A_136, %get3A_137] : memref<6x256x4096xf32, #tpu.memory_space<vmem>>, vector<1x8x4096xf32>
      %get3A_139 = vector.shape_cast %get3A_138 : vector<1x8x4096xf32> to vector<8x4096xf32>
      %mul3A_140 = vector.broadcast %get3A_134 : vector<8x1xf32> to vector<8x4096xf32>
      %mul3A_141 = arith.mulf %mul3A_140, %get3A_139 : vector<8x4096xf32>
      %add3A_142 = arith.addf %add3A_131, %mul3A_141 : vector<8x4096xf32>
      %get3A_143 = arith.constant 80 : index
      %get3A_144 = arith.constant 0 : index
      %get3A_145 = vector.load %arg12[%get3A_143, %get3A_144] : memref<256x1xf32, #tpu.memory_space<vmem>>, vector<8x1xf32>
      %get3A_146 = arith.index_cast %rem3A_34 : i32 to index
      %get3A_147 = arith.constant 80 : index
      %get3A_148 = arith.constant 0 : index
      %get3A_149 = vector.load %arg11[%get3A_146, %get3A_147, %get3A_148] : memref<6x256x4096xf32, #tpu.memory_space<vmem>>, vector<1x8x4096xf32>
      %get3A_150 = vector.shape_cast %get3A_149 : vector<1x8x4096xf32> to vector<8x4096xf32>
      %mul3A_151 = vector.broadcast %get3A_145 : vector<8x1xf32> to vector<8x4096xf32>
      %mul3A_152 = arith.mulf %mul3A_151, %get3A_150 : vector<8x4096xf32>
      %add3A_153 = arith.addf %add3A_142, %mul3A_152 : vector<8x4096xf32>
      %get3A_154 = arith.constant 88 : index
      %get3A_155 = arith.constant 0 : index
      %get3A_156 = vector.load %arg12[%get3A_154, %get3A_155] : memref<256x1xf32, #tpu.memory_space<vmem>>, vector<8x1xf32>
      %get3A_157 = arith.index_cast %rem3A_34 : i32 to index
      %get3A_158 = arith.constant 88 : index
      %get3A_159 = arith.constant 0 : index
      %get3A_160 = vector.load %arg11[%get3A_157, %get3A_158, %get3A_159] : memref<6x256x4096xf32, #tpu.memory_space<vmem>>, vector<1x8x4096xf32>
      %get3A_161 = vector.shape_cast %get3A_160 : vector<1x8x4096xf32> to vector<8x4096xf32>
      %mul3A_162 = vector.broadcast %get3A_156 : vector<8x1xf32> to vector<8x4096xf32>
      %mul3A_163 = arith.mulf %mul3A_162, %get3A_161 : vector<8x4096xf32>
      %add3A_164 = arith.addf %add3A_153, %mul3A_163 : vector<8x4096xf32>
      %get3A_165 = arith.constant 96 : index
      %get3A_166 = arith.constant 0 : index
      %get3A_167 = vector.load %arg12[%get3A_165, %get3A_166] : memref<256x1xf32, #tpu.memory_space<vmem>>, vector<8x1xf32>
      %get3A_168 = arith.index_cast %rem3A_34 : i32 to index
      %get3A_169 = arith.constant 96 : index
      %get3A_170 = arith.constant 0 : index
      %get3A_171 = vector.load %arg11[%get3A_168, %get3A_169, %get3A_170] : memref<6x256x4096xf32, #tpu.memory_space<vmem>>, vector<1x8x4096xf32>
      %get3A_172 = vector.shape_cast %get3A_171 : vector<1x8x4096xf32> to vector<8x4096xf32>
      %mul3A_173 = vector.broadcast %get3A_167 : vector<8x1xf32> to vector<8x4096xf32>
      %mul3A_174 = arith.mulf %mul3A_173, %get3A_172 : vector<8x4096xf32>
      %add3A_175 = arith.addf %add3A_164, %mul3A_174 : vector<8x4096xf32>
      %get3A_176 = arith.constant 104 : index
      %get3A_177 = arith.constant 0 : index
      %get3A_178 = vector.load %arg12[%get3A_176, %get3A_177] : memref<256x1xf32, #tpu.memory_space<vmem>>, vector<8x1xf32>
      %get3A_179 = arith.index_cast %rem3A_34 : i32 to index
      %get3A_180 = arith.constant 104 : index
      %get3A_181 = arith.constant 0 : index
      %get3A_182 = vector.load %arg11[%get3A_179, %get3A_180, %get3A_181] : memref<6x256x4096xf32, #tpu.memory_space<vmem>>, vector<1x8x4096xf32>
      %get3A_183 = vector.shape_cast %get3A_182 : vector<1x8x4096xf32> to vector<8x4096xf32>
      %mul3A_184 = vector.broadcast %get3A_178 : vector<8x1xf32> to vector<8x4096xf32>
      %mul3A_185 = arith.mulf %mul3A_184, %get3A_183 : vector<8x4096xf32>
      %add3A_186 = arith.addf %add3A_175, %mul3A_185 : vector<8x4096xf32>
      %get3A_187 = arith.constant 112 : index
      %get3A_188 = arith.constant 0 : index
      %get3A_189 = vector.load %arg12[%get3A_187, %get3A_188] : memref<256x1xf32, #tpu.memory_space<vmem>>, vector<8x1xf32>
      %get3A_190 = arith.index_cast %rem3A_34 : i32 to index
      %get3A_191 = arith.constant 112 : index
      %get3A_192 = arith.constant 0 : index
      %get3A_193 = vector.load %arg11[%get3A_190, %get3A_191, %get3A_192] : memref<6x256x4096xf32, #tpu.memory_space<vmem>>, vector<1x8x4096xf32>
      %get3A_194 = vector.shape_cast %get3A_193 : vector<1x8x4096xf32> to vector<8x4096xf32>
      %mul3A_195 = vector.broadcast %get3A_189 : vector<8x1xf32> to vector<8x4096xf32>
      %mul3A_196 = arith.mulf %mul3A_195, %get3A_194 : vector<8x4096xf32>
      %add3A_197 = arith.addf %add3A_186, %mul3A_196 : vector<8x4096xf32>
      %get3A_198 = arith.constant 120 : index
      %get3A_199 = arith.constant 0 : index
      %get3A_200 = vector.load %arg12[%get3A_198, %get3A_199] : memref<256x1xf32, #tpu.memory_space<vmem>>, vector<8x1xf32>
      %get3A_201 = arith.index_cast %rem3A_34 : i32 to index
      %get3A_202 = arith.constant 120 : index
      %get3A_203 = arith.constant 0 : index
      %get3A_204 = vector.load %arg11[%get3A_201, %get3A_202, %get3A_203] : memref<6x256x4096xf32, #tpu.memory_space<vmem>>, vector<1x8x4096xf32>
      %get3A_205 = vector.shape_cast %get3A_204 : vector<1x8x4096xf32> to vector<8x4096xf32>
      %mul3A_206 = vector.broadcast %get3A_200 : vector<8x1xf32> to vector<8x4096xf32>
      %mul3A_207 = arith.mulf %mul3A_206, %get3A_205 : vector<8x4096xf32>
      %add3A_208 = arith.addf %add3A_197, %mul3A_207 : vector<8x4096xf32>
      %get3A_209 = arith.constant 128 : index
      %get3A_210 = arith.constant 0 : index
      %get3A_211 = vector.load %arg12[%get3A_209, %get3A_210] : memref<256x1xf32, #tpu.memory_space<vmem>>, vector<8x1xf32>
      %get3A_212 = arith.index_cast %rem3A_34 : i32 to index
      %get3A_213 = arith.constant 128 : index
      %get3A_214 = arith.constant 0 : index
      %get3A_215 = vector.load %arg11[%get3A_212, %get3A_213, %get3A_214] : memref<6x256x4096xf32, #tpu.memory_space<vmem>>, vector<1x8x4096xf32>
      %get3A_216 = vector.shape_cast %get3A_215 : vector<1x8x4096xf32> to vector<8x4096xf32>
      %mul3A_217 = vector.broadcast %get3A_211 : vector<8x1xf32> to vector<8x4096xf32>
      %mul3A_218 = arith.mulf %mul3A_217, %get3A_216 : vector<8x4096xf32>
      %add3A_219 = arith.addf %add3A_208, %mul3A_218 : vector<8x4096xf32>
      %get3A_220 = arith.constant 136 : index
      %get3A_221 = arith.constant 0 : index
      %get3A_222 = vector.load %arg12[%get3A_220, %get3A_221] : memref<256x1xf32, #tpu.memory_space<vmem>>, vector<8x1xf32>
      %get3A_223 = arith.index_cast %rem3A_34 : i32 to index
      %get3A_224 = arith.constant 136 : index
      %get3A_225 = arith.constant 0 : index
      %get3A_226 = vector.load %arg11[%get3A_223, %get3A_224, %get3A_225] : memref<6x256x4096xf32, #tpu.memory_space<vmem>>, vector<1x8x4096xf32>
      %get3A_227 = vector.shape_cast %get3A_226 : vector<1x8x4096xf32> to vector<8x4096xf32>
      %mul3A_228 = vector.broadcast %get3A_222 : vector<8x1xf32> to vector<8x4096xf32>
      %mul3A_229 = arith.mulf %mul3A_228, %get3A_227 : vector<8x4096xf32>
      %add3A_230 = arith.addf %add3A_219, %mul3A_229 : vector<8x4096xf32>
      %get3A_231 = arith.constant 144 : index
      %get3A_232 = arith.constant 0 : index
      %get3A_233 = vector.load %arg12[%get3A_231, %get3A_232] : memref<256x1xf32, #tpu.memory_space<vmem>>, vector<8x1xf32>
      %get3A_234 = arith.index_cast %rem3A_34 : i32 to index
      %get3A_235 = arith.constant 144 : index
      %get3A_236 = arith.constant 0 : index
      %get3A_237 = vector.load %arg11[%get3A_234, %get3A_235, %get3A_236] : memref<6x256x4096xf32, #tpu.memory_space<vmem>>, vector<1x8x4096xf32>
      %get3A_238 = vector.shape_cast %get3A_237 : vector<1x8x4096xf32> to vector<8x4096xf32>
      %mul3A_239 = vector.broadcast %get3A_233 : vector<8x1xf32> to vector<8x4096xf32>
      %mul3A_240 = arith.mulf %mul3A_239, %get3A_238 : vector<8x4096xf32>
      %add3A_241 = arith.addf %add3A_230, %mul3A_240 : vector<8x4096xf32>
      %get3A_242 = arith.constant 152 : index
      %get3A_243 = arith.constant 0 : index
      %get3A_244 = vector.load %arg12[%get3A_242, %get3A_243] : memref<256x1xf32, #tpu.memory_space<vmem>>, vector<8x1xf32>
      %get3A_245 = arith.index_cast %rem3A_34 : i32 to index
      %get3A_246 = arith.constant 152 : index
      %get3A_247 = arith.constant 0 : index
      %get3A_248 = vector.load %arg11[%get3A_245, %get3A_246, %get3A_247] : memref<6x256x4096xf32, #tpu.memory_space<vmem>>, vector<1x8x4096xf32>
      %get3A_249 = vector.shape_cast %get3A_248 : vector<1x8x4096xf32> to vector<8x4096xf32>
      %mul3A_250 = vector.broadcast %get3A_244 : vector<8x1xf32> to vector<8x4096xf32>
      %mul3A_251 = arith.mulf %mul3A_250, %get3A_249 : vector<8x4096xf32>
      %add3A_252 = arith.addf %add3A_241, %mul3A_251 : vector<8x4096xf32>
      %get3A_253 = arith.constant 160 : index
      %get3A_254 = arith.constant 0 : index
      %get3A_255 = vector.load %arg12[%get3A_253, %get3A_254] : memref<256x1xf32, #tpu.memory_space<vmem>>, vector<8x1xf32>
      %get3A_256 = arith.index_cast %rem3A_34 : i32 to index
      %get3A_257 = arith.constant 160 : index
      %get3A_258 = arith.constant 0 : index
      %get3A_259 = vector.load %arg11[%get3A_256, %get3A_257, %get3A_258] : memref<6x256x4096xf32, #tpu.memory_space<vmem>>, vector<1x8x4096xf32>
      %get3A_260 = vector.shape_cast %get3A_259 : vector<1x8x4096xf32> to vector<8x4096xf32>
      %mul3A_261 = vector.broadcast %get3A_255 : vector<8x1xf32> to vector<8x4096xf32>
      %mul3A_262 = arith.mulf %mul3A_261, %get3A_260 : vector<8x4096xf32>
      %add3A_263 = arith.addf %add3A_252, %mul3A_262 : vector<8x4096xf32>
      %get3A_264 = arith.constant 168 : index
      %get3A_265 = arith.constant 0 : index
      %get3A_266 = vector.load %arg12[%get3A_264, %get3A_265] : memref<256x1xf32, #tpu.memory_space<vmem>>, vector<8x1xf32>
      %get3A_267 = arith.index_cast %rem3A_34 : i32 to index
      %get3A_268 = arith.constant 168 : index
      %get3A_269 = arith.constant 0 : index
      %get3A_270 = vector.load %arg11[%get3A_267, %get3A_268, %get3A_269] : memref<6x256x4096xf32, #tpu.memory_space<vmem>>, vector<1x8x4096xf32>
      %get3A_271 = vector.shape_cast %get3A_270 : vector<1x8x4096xf32> to vector<8x4096xf32>
      %mul3A_272 = vector.broadcast %get3A_266 : vector<8x1xf32> to vector<8x4096xf32>
      %mul3A_273 = arith.mulf %mul3A_272, %get3A_271 : vector<8x4096xf32>
      %add3A_274 = arith.addf %add3A_263, %mul3A_273 : vector<8x4096xf32>
      %get3A_275 = arith.constant 176 : index
      %get3A_276 = arith.constant 0 : index
      %get3A_277 = vector.load %arg12[%get3A_275, %get3A_276] : memref<256x1xf32, #tpu.memory_space<vmem>>, vector<8x1xf32>
      %get3A_278 = arith.index_cast %rem3A_34 : i32 to index
      %get3A_279 = arith.constant 176 : index
      %get3A_280 = arith.constant 0 : index
      %get3A_281 = vector.load %arg11[%get3A_278, %get3A_279, %get3A_280] : memref<6x256x4096xf32, #tpu.memory_space<vmem>>, vector<1x8x4096xf32>
      %get3A_282 = vector.shape_cast %get3A_281 : vector<1x8x4096xf32> to vector<8x4096xf32>
      %mul3A_283 = vector.broadcast %get3A_277 : vector<8x1xf32> to vector<8x4096xf32>
      %mul3A_284 = arith.mulf %mul3A_283, %get3A_282 : vector<8x4096xf32>
      %add3A_285 = arith.addf %add3A_274, %mul3A_284 : vector<8x4096xf32>
      %get3A_286 = arith.constant 184 : index
      %get3A_287 = arith.constant 0 : index
      %get3A_288 = vector.load %arg12[%get3A_286, %get3A_287] : memref<256x1xf32, #tpu.memory_space<vmem>>, vector<8x1xf32>
      %get3A_289 = arith.index_cast %rem3A_34 : i32 to index
      %get3A_290 = arith.constant 184 : index
      %get3A_291 = arith.constant 0 : index
      %get3A_292 = vector.load %arg11[%get3A_289, %get3A_290, %get3A_291] : memref<6x256x4096xf32, #tpu.memory_space<vmem>>, vector<1x8x4096xf32>
      %get3A_293 = vector.shape_cast %get3A_292 : vector<1x8x4096xf32> to vector<8x4096xf32>
      %mul3A_294 = vector.broadcast %get3A_288 : vector<8x1xf32> to vector<8x4096xf32>
      %mul3A_295 = arith.mulf %mul3A_294, %get3A_293 : vector<8x4096xf32>
      %add3A_296 = arith.addf %add3A_285, %mul3A_295 : vector<8x4096xf32>
      %get3A_297 = arith.constant 192 : index
      %get3A_298 = arith.constant 0 : index
      %get3A_299 = vector.load %arg12[%get3A_297, %get3A_298] : memref<256x1xf32, #tpu.memory_space<vmem>>, vector<8x1xf32>
      %get3A_300 = arith.index_cast %rem3A_34 : i32 to index
      %get3A_301 = arith.constant 192 : index
      %get3A_302 = arith.constant 0 : index
      %get3A_303 = vector.load %arg11[%get3A_300, %get3A_301, %get3A_302] : memref<6x256x4096xf32, #tpu.memory_space<vmem>>, vector<1x8x4096xf32>
      %get3A_304 = vector.shape_cast %get3A_303 : vector<1x8x4096xf32> to vector<8x4096xf32>
      %mul3A_305 = vector.broadcast %get3A_299 : vector<8x1xf32> to vector<8x4096xf32>
      %mul3A_306 = arith.mulf %mul3A_305, %get3A_304 : vector<8x4096xf32>
      %add3A_307 = arith.addf %add3A_296, %mul3A_306 : vector<8x4096xf32>
      %get3A_308 = arith.constant 200 : index
      %get3A_309 = arith.constant 0 : index
      %get3A_310 = vector.load %arg12[%get3A_308, %get3A_309] : memref<256x1xf32, #tpu.memory_space<vmem>>, vector<8x1xf32>
      %get3A_311 = arith.index_cast %rem3A_34 : i32 to index
      %get3A_312 = arith.constant 200 : index
      %get3A_313 = arith.constant 0 : index
      %get3A_314 = vector.load %arg11[%get3A_311, %get3A_312, %get3A_313] : memref<6x256x4096xf32, #tpu.memory_space<vmem>>, vector<1x8x4096xf32>
      %get3A_315 = vector.shape_cast %get3A_314 : vector<1x8x4096xf32> to vector<8x4096xf32>
      %mul3A_316 = vector.broadcast %get3A_310 : vector<8x1xf32> to vector<8x4096xf32>
      %mul3A_317 = arith.mulf %mul3A_316, %get3A_315 : vector<8x4096xf32>
      %add3A_318 = arith.addf %add3A_307, %mul3A_317 : vector<8x4096xf32>
      %get3A_319 = arith.constant 208 : index
      %get3A_320 = arith.constant 0 : index
      %get3A_321 = vector.load %arg12[%get3A_319, %get3A_320] : memref<256x1xf32, #tpu.memory_space<vmem>>, vector<8x1xf32>
      %get3A_322 = arith.index_cast %rem3A_34 : i32 to index
      %get3A_323 = arith.constant 208 : index
      %get3A_324 = arith.constant 0 : index
      %get3A_325 = vector.load %arg11[%get3A_322, %get3A_323, %get3A_324] : memref<6x256x4096xf32, #tpu.memory_space<vmem>>, vector<1x8x4096xf32>
      %get3A_326 = vector.shape_cast %get3A_325 : vector<1x8x4096xf32> to vector<8x4096xf32>
      %mul3A_327 = vector.broadcast %get3A_321 : vector<8x1xf32> to vector<8x4096xf32>
      %mul3A_328 = arith.mulf %mul3A_327, %get3A_326 : vector<8x4096xf32>
      %add3A_329 = arith.addf %add3A_318, %mul3A_328 : vector<8x4096xf32>
      %get3A_330 = arith.constant 216 : index
      %get3A_331 = arith.constant 0 : index
      %get3A_332 = vector.load %arg12[%get3A_330, %get3A_331] : memref<256x1xf32, #tpu.memory_space<vmem>>, vector<8x1xf32>
      %get3A_333 = arith.index_cast %rem3A_34 : i32 to index
      %get3A_334 = arith.constant 216 : index
      %get3A_335 = arith.constant 0 : index
      %get3A_336 = vector.load %arg11[%get3A_333, %get3A_334, %get3A_335] : memref<6x256x4096xf32, #tpu.memory_space<vmem>>, vector<1x8x4096xf32>
      %get3A_337 = vector.shape_cast %get3A_336 : vector<1x8x4096xf32> to vector<8x4096xf32>
      %mul3A_338 = vector.broadcast %get3A_332 : vector<8x1xf32> to vector<8x4096xf32>
      %mul3A_339 = arith.mulf %mul3A_338, %get3A_337 : vector<8x4096xf32>
      %add3A_340 = arith.addf %add3A_329, %mul3A_339 : vector<8x4096xf32>
      %get3A_341 = arith.constant 224 : index
      %get3A_342 = arith.constant 0 : index
      %get3A_343 = vector.load %arg12[%get3A_341, %get3A_342] : memref<256x1xf32, #tpu.memory_space<vmem>>, vector<8x1xf32>
      %get3A_344 = arith.index_cast %rem3A_34 : i32 to index
      %get3A_345 = arith.constant 224 : index
      %get3A_346 = arith.constant 0 : index
      %get3A_347 = vector.load %arg11[%get3A_344, %get3A_345, %get3A_346] : memref<6x256x4096xf32, #tpu.memory_space<vmem>>, vector<1x8x4096xf32>
      %get3A_348 = vector.shape_cast %get3A_347 : vector<1x8x4096xf32> to vector<8x4096xf32>
      %mul3A_349 = vector.broadcast %get3A_343 : vector<8x1xf32> to vector<8x4096xf32>
      %mul3A_350 = arith.mulf %mul3A_349, %get3A_348 : vector<8x4096xf32>
      %add3A_351 = arith.addf %add3A_340, %mul3A_350 : vector<8x4096xf32>
      %get3A_352 = arith.constant 232 : index
      %get3A_353 = arith.constant 0 : index
      %get3A_354 = vector.load %arg12[%get3A_352, %get3A_353] : memref<256x1xf32, #tpu.memory_space<vmem>>, vector<8x1xf32>
      %get3A_355 = arith.index_cast %rem3A_34 : i32 to index
      %get3A_356 = arith.constant 232 : index
      %get3A_357 = arith.constant 0 : index
      %get3A_358 = vector.load %arg11[%get3A_355, %get3A_356, %get3A_357] : memref<6x256x4096xf32, #tpu.memory_space<vmem>>, vector<1x8x4096xf32>
      %get3A_359 = vector.shape_cast %get3A_358 : vector<1x8x4096xf32> to vector<8x4096xf32>
      %mul3A_360 = vector.broadcast %get3A_354 : vector<8x1xf32> to vector<8x4096xf32>
      %mul3A_361 = arith.mulf %mul3A_360, %get3A_359 : vector<8x4096xf32>
      %add3A_362 = arith.addf %add3A_351, %mul3A_361 : vector<8x4096xf32>
      %get3A_363 = arith.constant 240 : index
      %get3A_364 = arith.constant 0 : index
      %get3A_365 = vector.load %arg12[%get3A_363, %get3A_364] : memref<256x1xf32, #tpu.memory_space<vmem>>, vector<8x1xf32>
      %get3A_366 = arith.index_cast %rem3A_34 : i32 to index
      %get3A_367 = arith.constant 240 : index
      %get3A_368 = arith.constant 0 : index
      %get3A_369 = vector.load %arg11[%get3A_366, %get3A_367, %get3A_368] : memref<6x256x4096xf32, #tpu.memory_space<vmem>>, vector<1x8x4096xf32>
      %get3A_370 = vector.shape_cast %get3A_369 : vector<1x8x4096xf32> to vector<8x4096xf32>
      %mul3A_371 = vector.broadcast %get3A_365 : vector<8x1xf32> to vector<8x4096xf32>
      %mul3A_372 = arith.mulf %mul3A_371, %get3A_370 : vector<8x4096xf32>
      %add3A_373 = arith.addf %add3A_362, %mul3A_372 : vector<8x4096xf32>
      %get3A_374 = arith.constant 248 : index
      %get3A_375 = arith.constant 0 : index
      %get3A_376 = vector.load %arg12[%get3A_374, %get3A_375] : memref<256x1xf32, #tpu.memory_space<vmem>>, vector<8x1xf32>
      %get3A_377 = arith.index_cast %rem3A_34 : i32 to index
      %get3A_378 = arith.constant 248 : index
      %get3A_379 = arith.constant 0 : index
      %get3A_380 = vector.load %arg11[%get3A_377, %get3A_378, %get3A_379] : memref<6x256x4096xf32, #tpu.memory_space<vmem>>, vector<1x8x4096xf32>
      %get3A_381 = vector.shape_cast %get3A_380 : vector<1x8x4096xf32> to vector<8x4096xf32>
      %mul3A_382 = vector.broadcast %get3A_376 : vector<8x1xf32> to vector<8x4096xf32>
      %mul3A_383 = arith.mulf %mul3A_382, %get3A_381 : vector<8x4096xf32>
      %add3A_384 = arith.addf %add3A_373, %mul3A_383 : vector<8x4096xf32>
      %reduce_sum3A = arith.constant dense<0.000000e+00> : vector<4096xf32>
      %reduce_sum3A_385 = vector.multi_reduction <add>, %add3A_384, %reduce_sum3A [0] : vector<8x4096xf32> to vector<4096xf32>
      %broadcast_in_dim3A = vector.shape_cast %reduce_sum3A_385 : vector<4096xf32> to vector<1x4096xf32>
      %get3A_386 = arith.constant 0 : index
      %get3A_387 = arith.constant 0 : index
      %get3A_388 = vector.load %arg7[%get3A_386, %get3A_387] : memref<1x4096xf32, #tpu.memory_space<vmem>>, vector<1x4096xf32>
      %add3A_389 = arith.addf %broadcast_in_dim3A, %get3A_388 : vector<1x4096xf32>
      %swap3A = arith.constant 0 : index
      %swap3A_390 = arith.constant 0 : index
      %swap3A_391 = vector.load %arg8[%swap3A, %swap3A_390] : memref<1x4096xf32, #tpu.memory_space<vmem>>, vector<1x4096xf32>
      tpu.vector_store %arg8[%swap3A, %swap3A_390], %add3A_389 {strides = array<i32>} : memref<1x4096xf32, #tpu.memory_space<vmem>>, vector<1x4096xf32>,
      %get3A_392 = arith.constant 0 : index
      %get3A_393 = arith.constant 0 : index
      %get3A_394 = vector.load %arg13[%get3A_392, %get3A_393] : memref<1x1xf32, #tpu.memory_space<vmem>>, vector<1x1xf32>
      %reduce_max3A = arith.constant dense<0xFF800000> : vector<1xf32>
      %reduce_max3A_395 = vector.multi_reduction <maximumf>, %add3A_389, %reduce_max3A [1] : vector<1x4096xf32> to vector<1xf32>
      %broadcast_in_dim3A_396 = vector.shape_cast %reduce_max3A_395 : vector<1xf32> to vector<1x1xf32>
      %max3A = arith.maximumf %get3A_394, %broadcast_in_dim3A_396 : vector<1x1xf32>
      %get3A_397 = arith.constant 0 : index
      %get3A_398 = arith.constant 0 : index
      %get3A_399 = vector.load %arg14[%get3A_397, %get3A_398] : memref<1x1xf32, #tpu.memory_space<vmem>>, vector<1x1xf32>
      %sub3A_400 = arith.subf %get3A_394, %max3A : vector<1x1xf32>
      %exp3A = math.exp %sub3A_400 : vector<1x1xf32>
      %mul3A_401 = arith.mulf %get3A_399, %exp3A : vector<1x1xf32>
      %sub3A_402 = vector.broadcast %max3A : vector<1x1xf32> to vector<1x4096xf32>
      %sub3A_403 = arith.subf %add3A_389, %sub3A_402 : vector<1x4096xf32>
      %exp3A_404 = math.exp %sub3A_403 : vector<1x4096xf32>
      %reduce_sum3A_405 = arith.constant dense<0.000000e+00> : vector<1xf32>
      %reduce_sum3A_406 = vector.multi_reduction <add>, %exp3A_404, %reduce_sum3A_405 [1] : vector<1x4096xf32> to vector<1xf32>
      %broadcast_in_dim3A_407 = vector.shape_cast %reduce_sum3A_406 : vector<1xf32> to vector<1x1xf32>
      %add3A_408 = arith.addf %mul3A_401, %broadcast_in_dim3A_407 : vector<1x1xf32>
      %swap3A_409 = arith.constant 0 : index
      %swap3A_410 = arith.constant 0 : index
      %swap3A_411 = vector.load %arg14[%swap3A_409, %swap3A_410] : memref<1x1xf32, #tpu.memory_space<vmem>>, vector<1x1xf32>
      tpu.vector_store %arg14[%swap3A_409, %swap3A_410], %add3A_408 {strides = array<i32>} : memref<1x1xf32, #tpu.memory_space<vmem>>, vector<1x1xf32>,
      %swap3A_412 = arith.constant 0 : index
      %swap3A_413 = arith.constant 0 : index
      %swap3A_414 = vector.load %arg13[%swap3A_412, %swap3A_413] : memref<1x1xf32, #tpu.memory_space<vmem>>, vector<1x1xf32>
      tpu.vector_store %arg13[%swap3A_412, %swap3A_413], %max3A {strides = array<i32>} : memref<1x1xf32, #tpu.memory_space<vmem>>, vector<1x1xf32>,
    } else {
    }
    %eq3A_24 = arith.constant 244 : i32
    %eq3A_25 = arith.cmpi eq, %add3A, %eq3A_24 : i32
    %convert_element_type3A_26 = arith.extui %eq3A_25 : i1 to i32
    %cond3A_27 = arith.constant 0 : i32
    %cond3A_28 = arith.cmpi ne, %convert_element_type3A_26, %cond3A_27 : i32
    scf.if %cond3A_28 {
      %get3A = arith.constant 0 : index
      %get3A_34 = arith.constant 0 : index
      %get3A_35 = vector.load %arg12[%get3A, %get3A_34] : memref<256x1xf32, #tpu.memory_space<vmem>>, vector<8x1xf32>
      %get3A_36 = arith.constant 0 : index
      %get3A_37 = arith.constant 0 : index
      %get3A_38 = vector.load %arg6[%get3A_36, %get3A_37] : memref<256x4096xf32, #tpu.memory_space<vmem>>, vector<8x4096xf32>
      %mul3A_39 = vector.broadcast %get3A_35 : vector<8x1xf32> to vector<8x4096xf32>
      %mul3A_40 = arith.mulf %mul3A_39, %get3A_38 : vector<8x4096xf32>
      %get3A_41 = arith.constant 8 : index
      %get3A_42 = arith.constant 0 : index
      %get3A_43 = vector.load %arg12[%get3A_41, %get3A_42] : memref<256x1xf32, #tpu.memory_space<vmem>>, vector<8x1xf32>
      %get3A_44 = arith.constant 8 : index
      %get3A_45 = arith.constant 0 : index
      %get3A_46 = vector.load %arg6[%get3A_44, %get3A_45] : memref<256x4096xf32, #tpu.memory_space<vmem>>, vector<8x4096xf32>
      %mul3A_47 = vector.broadcast %get3A_43 : vector<8x1xf32> to vector<8x4096xf32>
      %mul3A_48 = arith.mulf %mul3A_47, %get3A_46 : vector<8x4096xf32>
      %add3A_49 = arith.addf %mul3A_40, %mul3A_48 : vector<8x4096xf32>
      %get3A_50 = arith.constant 16 : index
      %get3A_51 = arith.constant 0 : index
      %get3A_52 = vector.load %arg12[%get3A_50, %get3A_51] : memref<256x1xf32, #tpu.memory_space<vmem>>, vector<8x1xf32>
      %get3A_53 = arith.constant 16 : index
      %get3A_54 = arith.constant 0 : index
      %get3A_55 = vector.load %arg6[%get3A_53, %get3A_54] : memref<256x4096xf32, #tpu.memory_space<vmem>>, vector<8x4096xf32>
      %mul3A_56 = vector.broadcast %get3A_52 : vector<8x1xf32> to vector<8x4096xf32>
      %mul3A_57 = arith.mulf %mul3A_56, %get3A_55 : vector<8x4096xf32>
      %add3A_58 = arith.addf %add3A_49, %mul3A_57 : vector<8x4096xf32>
      %get3A_59 = arith.constant 24 : index
      %get3A_60 = arith.constant 0 : index
      %get3A_61 = vector.load %arg12[%get3A_59, %get3A_60] : memref<256x1xf32, #tpu.memory_space<vmem>>, vector<8x1xf32>
      %get3A_62 = arith.constant 24 : index
      %get3A_63 = arith.constant 0 : index
      %get3A_64 = vector.load %arg6[%get3A_62, %get3A_63] : memref<256x4096xf32, #tpu.memory_space<vmem>>, vector<8x4096xf32>
      %mul3A_65 = vector.broadcast %get3A_61 : vector<8x1xf32> to vector<8x4096xf32>
      %mul3A_66 = arith.mulf %mul3A_65, %get3A_64 : vector<8x4096xf32>
      %add3A_67 = arith.addf %add3A_58, %mul3A_66 : vector<8x4096xf32>
      %get3A_68 = arith.constant 32 : index
      %get3A_69 = arith.constant 0 : index
      %get3A_70 = vector.load %arg12[%get3A_68, %get3A_69] : memref<256x1xf32, #tpu.memory_space<vmem>>, vector<8x1xf32>
      %get3A_71 = arith.constant 32 : index
      %get3A_72 = arith.constant 0 : index
      %get3A_73 = vector.load %arg6[%get3A_71, %get3A_72] : memref<256x4096xf32, #tpu.memory_space<vmem>>, vector<8x4096xf32>
      %mul3A_74 = vector.broadcast %get3A_70 : vector<8x1xf32> to vector<8x4096xf32>
      %mul3A_75 = arith.mulf %mul3A_74, %get3A_73 : vector<8x4096xf32>
      %add3A_76 = arith.addf %add3A_67, %mul3A_75 : vector<8x4096xf32>
      %get3A_77 = arith.constant 40 : index
      %get3A_78 = arith.constant 0 : index
      %get3A_79 = vector.load %arg12[%get3A_77, %get3A_78] : memref<256x1xf32, #tpu.memory_space<vmem>>, vector<8x1xf32>
      %get3A_80 = arith.constant 40 : index
      %get3A_81 = arith.constant 0 : index
      %get3A_82 = vector.load %arg6[%get3A_80, %get3A_81] : memref<256x4096xf32, #tpu.memory_space<vmem>>, vector<8x4096xf32>
      %mul3A_83 = vector.broadcast %get3A_79 : vector<8x1xf32> to vector<8x4096xf32>
      %mul3A_84 = arith.mulf %mul3A_83, %get3A_82 : vector<8x4096xf32>
      %add3A_85 = arith.addf %add3A_76, %mul3A_84 : vector<8x4096xf32>
      %get3A_86 = arith.constant 48 : index
      %get3A_87 = arith.constant 0 : index
      %get3A_88 = vector.load %arg12[%get3A_86, %get3A_87] : memref<256x1xf32, #tpu.memory_space<vmem>>, vector<8x1xf32>
      %get3A_89 = arith.constant 48 : index
      %get3A_90 = arith.constant 0 : index
      %get3A_91 = vector.load %arg6[%get3A_89, %get3A_90] : memref<256x4096xf32, #tpu.memory_space<vmem>>, vector<8x4096xf32>
      %mul3A_92 = vector.broadcast %get3A_88 : vector<8x1xf32> to vector<8x4096xf32>
      %mul3A_93 = arith.mulf %mul3A_92, %get3A_91 : vector<8x4096xf32>
      %add3A_94 = arith.addf %add3A_85, %mul3A_93 : vector<8x4096xf32>
      %get3A_95 = arith.constant 56 : index
      %get3A_96 = arith.constant 0 : index
      %get3A_97 = vector.load %arg12[%get3A_95, %get3A_96] : memref<256x1xf32, #tpu.memory_space<vmem>>, vector<8x1xf32>
      %get3A_98 = arith.constant 56 : index
      %get3A_99 = arith.constant 0 : index
      %get3A_100 = vector.load %arg6[%get3A_98, %get3A_99] : memref<256x4096xf32, #tpu.memory_space<vmem>>, vector<8x4096xf32>
      %mul3A_101 = vector.broadcast %get3A_97 : vector<8x1xf32> to vector<8x4096xf32>
      %mul3A_102 = arith.mulf %mul3A_101, %get3A_100 : vector<8x4096xf32>
      %add3A_103 = arith.addf %add3A_94, %mul3A_102 : vector<8x4096xf32>
      %get3A_104 = arith.constant 64 : index
      %get3A_105 = arith.constant 0 : index
      %get3A_106 = vector.load %arg12[%get3A_104, %get3A_105] : memref<256x1xf32, #tpu.memory_space<vmem>>, vector<8x1xf32>
      %get3A_107 = arith.constant 64 : index
      %get3A_108 = arith.constant 0 : index
      %get3A_109 = vector.load %arg6[%get3A_107, %get3A_108] : memref<256x4096xf32, #tpu.memory_space<vmem>>, vector<8x4096xf32>
      %mul3A_110 = vector.broadcast %get3A_106 : vector<8x1xf32> to vector<8x4096xf32>
      %mul3A_111 = arith.mulf %mul3A_110, %get3A_109 : vector<8x4096xf32>
      %add3A_112 = arith.addf %add3A_103, %mul3A_111 : vector<8x4096xf32>
      %get3A_113 = arith.constant 72 : index
      %get3A_114 = arith.constant 0 : index
      %get3A_115 = vector.load %arg12[%get3A_113, %get3A_114] : memref<256x1xf32, #tpu.memory_space<vmem>>, vector<8x1xf32>
      %get3A_116 = arith.constant 72 : index
      %get3A_117 = arith.constant 0 : index
      %get3A_118 = vector.load %arg6[%get3A_116, %get3A_117] : memref<256x4096xf32, #tpu.memory_space<vmem>>, vector<8x4096xf32>
      %mul3A_119 = vector.broadcast %get3A_115 : vector<8x1xf32> to vector<8x4096xf32>
      %mul3A_120 = arith.mulf %mul3A_119, %get3A_118 : vector<8x4096xf32>
      %add3A_121 = arith.addf %add3A_112, %mul3A_120 : vector<8x4096xf32>
      %get3A_122 = arith.constant 80 : index
      %get3A_123 = arith.constant 0 : index
      %get3A_124 = vector.load %arg12[%get3A_122, %get3A_123] : memref<256x1xf32, #tpu.memory_space<vmem>>, vector<8x1xf32>
      %get3A_125 = arith.constant 80 : index
      %get3A_126 = arith.constant 0 : index
      %get3A_127 = vector.load %arg6[%get3A_125, %get3A_126] : memref<256x4096xf32, #tpu.memory_space<vmem>>, vector<8x4096xf32>
      %mul3A_128 = vector.broadcast %get3A_124 : vector<8x1xf32> to vector<8x4096xf32>
      %mul3A_129 = arith.mulf %mul3A_128, %get3A_127 : vector<8x4096xf32>
      %add3A_130 = arith.addf %add3A_121, %mul3A_129 : vector<8x4096xf32>
      %get3A_131 = arith.constant 88 : index
      %get3A_132 = arith.constant 0 : index
      %get3A_133 = vector.load %arg12[%get3A_131, %get3A_132] : memref<256x1xf32, #tpu.memory_space<vmem>>, vector<8x1xf32>
      %get3A_134 = arith.constant 88 : index
      %get3A_135 = arith.constant 0 : index
      %get3A_136 = vector.load %arg6[%get3A_134, %get3A_135] : memref<256x4096xf32, #tpu.memory_space<vmem>>, vector<8x4096xf32>
      %mul3A_137 = vector.broadcast %get3A_133 : vector<8x1xf32> to vector<8x4096xf32>
      %mul3A_138 = arith.mulf %mul3A_137, %get3A_136 : vector<8x4096xf32>
      %add3A_139 = arith.addf %add3A_130, %mul3A_138 : vector<8x4096xf32>
      %get3A_140 = arith.constant 96 : index
      %get3A_141 = arith.constant 0 : index
      %get3A_142 = vector.load %arg12[%get3A_140, %get3A_141] : memref<256x1xf32, #tpu.memory_space<vmem>>, vector<8x1xf32>
      %get3A_143 = arith.constant 96 : index
      %get3A_144 = arith.constant 0 : index
      %get3A_145 = vector.load %arg6[%get3A_143, %get3A_144] : memref<256x4096xf32, #tpu.memory_space<vmem>>, vector<8x4096xf32>
      %mul3A_146 = vector.broadcast %get3A_142 : vector<8x1xf32> to vector<8x4096xf32>
      %mul3A_147 = arith.mulf %mul3A_146, %get3A_145 : vector<8x4096xf32>
      %add3A_148 = arith.addf %add3A_139, %mul3A_147 : vector<8x4096xf32>
      %get3A_149 = arith.constant 104 : index
      %get3A_150 = arith.constant 0 : index
      %get3A_151 = vector.load %arg12[%get3A_149, %get3A_150] : memref<256x1xf32, #tpu.memory_space<vmem>>, vector<8x1xf32>
      %get3A_152 = arith.constant 104 : index
      %get3A_153 = arith.constant 0 : index
      %get3A_154 = vector.load %arg6[%get3A_152, %get3A_153] : memref<256x4096xf32, #tpu.memory_space<vmem>>, vector<8x4096xf32>
      %mul3A_155 = vector.broadcast %get3A_151 : vector<8x1xf32> to vector<8x4096xf32>
      %mul3A_156 = arith.mulf %mul3A_155, %get3A_154 : vector<8x4096xf32>
      %add3A_157 = arith.addf %add3A_148, %mul3A_156 : vector<8x4096xf32>
      %get3A_158 = arith.constant 112 : index
      %get3A_159 = arith.constant 0 : index
      %get3A_160 = vector.load %arg12[%get3A_158, %get3A_159] : memref<256x1xf32, #tpu.memory_space<vmem>>, vector<8x1xf32>
      %get3A_161 = arith.constant 112 : index
      %get3A_162 = arith.constant 0 : index
      %get3A_163 = vector.load %arg6[%get3A_161, %get3A_162] : memref<256x4096xf32, #tpu.memory_space<vmem>>, vector<8x4096xf32>
      %mul3A_164 = vector.broadcast %get3A_160 : vector<8x1xf32> to vector<8x4096xf32>
      %mul3A_165 = arith.mulf %mul3A_164, %get3A_163 : vector<8x4096xf32>
      %add3A_166 = arith.addf %add3A_157, %mul3A_165 : vector<8x4096xf32>
      %get3A_167 = arith.constant 120 : index
      %get3A_168 = arith.constant 0 : index
      %get3A_169 = vector.load %arg12[%get3A_167, %get3A_168] : memref<256x1xf32, #tpu.memory_space<vmem>>, vector<8x1xf32>
      %get3A_170 = arith.constant 120 : index
      %get3A_171 = arith.constant 0 : index
      %get3A_172 = vector.load %arg6[%get3A_170, %get3A_171] : memref<256x4096xf32, #tpu.memory_space<vmem>>, vector<8x4096xf32>
      %mul3A_173 = vector.broadcast %get3A_169 : vector<8x1xf32> to vector<8x4096xf32>
      %mul3A_174 = arith.mulf %mul3A_173, %get3A_172 : vector<8x4096xf32>
      %add3A_175 = arith.addf %add3A_166, %mul3A_174 : vector<8x4096xf32>
      %get3A_176 = arith.constant 128 : index
      %get3A_177 = arith.constant 0 : index
      %get3A_178 = vector.load %arg12[%get3A_176, %get3A_177] : memref<256x1xf32, #tpu.memory_space<vmem>>, vector<8x1xf32>
      %get3A_179 = arith.constant 128 : index
      %get3A_180 = arith.constant 0 : index
      %get3A_181 = vector.load %arg6[%get3A_179, %get3A_180] : memref<256x4096xf32, #tpu.memory_space<vmem>>, vector<8x4096xf32>
      %mul3A_182 = vector.broadcast %get3A_178 : vector<8x1xf32> to vector<8x4096xf32>
      %mul3A_183 = arith.mulf %mul3A_182, %get3A_181 : vector<8x4096xf32>
      %add3A_184 = arith.addf %add3A_175, %mul3A_183 : vector<8x4096xf32>
      %get3A_185 = arith.constant 136 : index
      %get3A_186 = arith.constant 0 : index
      %get3A_187 = vector.load %arg12[%get3A_185, %get3A_186] : memref<256x1xf32, #tpu.memory_space<vmem>>, vector<8x1xf32>
      %get3A_188 = arith.constant 136 : index
      %get3A_189 = arith.constant 0 : index
      %get3A_190 = vector.load %arg6[%get3A_188, %get3A_189] : memref<256x4096xf32, #tpu.memory_space<vmem>>, vector<8x4096xf32>
      %mul3A_191 = vector.broadcast %get3A_187 : vector<8x1xf32> to vector<8x4096xf32>
      %mul3A_192 = arith.mulf %mul3A_191, %get3A_190 : vector<8x4096xf32>
      %add3A_193 = arith.addf %add3A_184, %mul3A_192 : vector<8x4096xf32>
      %get3A_194 = arith.constant 144 : index
      %get3A_195 = arith.constant 0 : index
      %get3A_196 = vector.load %arg12[%get3A_194, %get3A_195] : memref<256x1xf32, #tpu.memory_space<vmem>>, vector<8x1xf32>
      %get3A_197 = arith.constant 144 : index
      %get3A_198 = arith.constant 0 : index
      %get3A_199 = vector.load %arg6[%get3A_197, %get3A_198] : memref<256x4096xf32, #tpu.memory_space<vmem>>, vector<8x4096xf32>
      %mul3A_200 = vector.broadcast %get3A_196 : vector<8x1xf32> to vector<8x4096xf32>
      %mul3A_201 = arith.mulf %mul3A_200, %get3A_199 : vector<8x4096xf32>
      %add3A_202 = arith.addf %add3A_193, %mul3A_201 : vector<8x4096xf32>
      %get3A_203 = arith.constant 152 : index
      %get3A_204 = arith.constant 0 : index
      %get3A_205 = vector.load %arg12[%get3A_203, %get3A_204] : memref<256x1xf32, #tpu.memory_space<vmem>>, vector<8x1xf32>
      %get3A_206 = arith.constant 152 : index
      %get3A_207 = arith.constant 0 : index
      %get3A_208 = vector.load %arg6[%get3A_206, %get3A_207] : memref<256x4096xf32, #tpu.memory_space<vmem>>, vector<8x4096xf32>
      %mul3A_209 = vector.broadcast %get3A_205 : vector<8x1xf32> to vector<8x4096xf32>
      %mul3A_210 = arith.mulf %mul3A_209, %get3A_208 : vector<8x4096xf32>
      %add3A_211 = arith.addf %add3A_202, %mul3A_210 : vector<8x4096xf32>
      %get3A_212 = arith.constant 160 : index
      %get3A_213 = arith.constant 0 : index
      %get3A_214 = vector.load %arg12[%get3A_212, %get3A_213] : memref<256x1xf32, #tpu.memory_space<vmem>>, vector<8x1xf32>
      %get3A_215 = arith.constant 160 : index
      %get3A_216 = arith.constant 0 : index
      %get3A_217 = vector.load %arg6[%get3A_215, %get3A_216] : memref<256x4096xf32, #tpu.memory_space<vmem>>, vector<8x4096xf32>
      %mul3A_218 = vector.broadcast %get3A_214 : vector<8x1xf32> to vector<8x4096xf32>
      %mul3A_219 = arith.mulf %mul3A_218, %get3A_217 : vector<8x4096xf32>
      %add3A_220 = arith.addf %add3A_211, %mul3A_219 : vector<8x4096xf32>
      %get3A_221 = arith.constant 168 : index
      %get3A_222 = arith.constant 0 : index
      %get3A_223 = vector.load %arg12[%get3A_221, %get3A_222] : memref<256x1xf32, #tpu.memory_space<vmem>>, vector<8x1xf32>
      %get3A_224 = arith.constant 168 : index
      %get3A_225 = arith.constant 0 : index
      %get3A_226 = vector.load %arg6[%get3A_224, %get3A_225] : memref<256x4096xf32, #tpu.memory_space<vmem>>, vector<8x4096xf32>
      %mul3A_227 = vector.broadcast %get3A_223 : vector<8x1xf32> to vector<8x4096xf32>
      %mul3A_228 = arith.mulf %mul3A_227, %get3A_226 : vector<8x4096xf32>
      %add3A_229 = arith.addf %add3A_220, %mul3A_228 : vector<8x4096xf32>
      %get3A_230 = arith.constant 176 : index
      %get3A_231 = arith.constant 0 : index
      %get3A_232 = vector.load %arg12[%get3A_230, %get3A_231] : memref<256x1xf32, #tpu.memory_space<vmem>>, vector<8x1xf32>
      %get3A_233 = arith.constant 176 : index
      %get3A_234 = arith.constant 0 : index
      %get3A_235 = vector.load %arg6[%get3A_233, %get3A_234] : memref<256x4096xf32, #tpu.memory_space<vmem>>, vector<8x4096xf32>
      %mul3A_236 = vector.broadcast %get3A_232 : vector<8x1xf32> to vector<8x4096xf32>
      %mul3A_237 = arith.mulf %mul3A_236, %get3A_235 : vector<8x4096xf32>
      %add3A_238 = arith.addf %add3A_229, %mul3A_237 : vector<8x4096xf32>
      %get3A_239 = arith.constant 184 : index
      %get3A_240 = arith.constant 0 : index
      %get3A_241 = vector.load %arg12[%get3A_239, %get3A_240] : memref<256x1xf32, #tpu.memory_space<vmem>>, vector<8x1xf32>
      %get3A_242 = arith.constant 184 : index
      %get3A_243 = arith.constant 0 : index
      %get3A_244 = vector.load %arg6[%get3A_242, %get3A_243] : memref<256x4096xf32, #tpu.memory_space<vmem>>, vector<8x4096xf32>
      %mul3A_245 = vector.broadcast %get3A_241 : vector<8x1xf32> to vector<8x4096xf32>
      %mul3A_246 = arith.mulf %mul3A_245, %get3A_244 : vector<8x4096xf32>
      %add3A_247 = arith.addf %add3A_238, %mul3A_246 : vector<8x4096xf32>
      %get3A_248 = arith.constant 192 : index
      %get3A_249 = arith.constant 0 : index
      %get3A_250 = vector.load %arg12[%get3A_248, %get3A_249] : memref<256x1xf32, #tpu.memory_space<vmem>>, vector<8x1xf32>
      %get3A_251 = arith.constant 192 : index
      %get3A_252 = arith.constant 0 : index
      %get3A_253 = vector.load %arg6[%get3A_251, %get3A_252] : memref<256x4096xf32, #tpu.memory_space<vmem>>, vector<8x4096xf32>
      %mul3A_254 = vector.broadcast %get3A_250 : vector<8x1xf32> to vector<8x4096xf32>
      %mul3A_255 = arith.mulf %mul3A_254, %get3A_253 : vector<8x4096xf32>
      %add3A_256 = arith.addf %add3A_247, %mul3A_255 : vector<8x4096xf32>
      %get3A_257 = arith.constant 200 : index
      %get3A_258 = arith.constant 0 : index
      %get3A_259 = vector.load %arg12[%get3A_257, %get3A_258] : memref<256x1xf32, #tpu.memory_space<vmem>>, vector<8x1xf32>
      %get3A_260 = arith.constant 200 : index
      %get3A_261 = arith.constant 0 : index
      %get3A_262 = vector.load %arg6[%get3A_260, %get3A_261] : memref<256x4096xf32, #tpu.memory_space<vmem>>, vector<8x4096xf32>
      %mul3A_263 = vector.broadcast %get3A_259 : vector<8x1xf32> to vector<8x4096xf32>
      %mul3A_264 = arith.mulf %mul3A_263, %get3A_262 : vector<8x4096xf32>
      %add3A_265 = arith.addf %add3A_256, %mul3A_264 : vector<8x4096xf32>
      %get3A_266 = arith.constant 208 : index
      %get3A_267 = arith.constant 0 : index
      %get3A_268 = vector.load %arg12[%get3A_266, %get3A_267] : memref<256x1xf32, #tpu.memory_space<vmem>>, vector<8x1xf32>
      %get3A_269 = arith.constant 208 : index
      %get3A_270 = arith.constant 0 : index
      %get3A_271 = vector.load %arg6[%get3A_269, %get3A_270] : memref<256x4096xf32, #tpu.memory_space<vmem>>, vector<8x4096xf32>
      %mul3A_272 = vector.broadcast %get3A_268 : vector<8x1xf32> to vector<8x4096xf32>
      %mul3A_273 = arith.mulf %mul3A_272, %get3A_271 : vector<8x4096xf32>
      %add3A_274 = arith.addf %add3A_265, %mul3A_273 : vector<8x4096xf32>
      %get3A_275 = arith.constant 216 : index
      %get3A_276 = arith.constant 0 : index
      %get3A_277 = vector.load %arg12[%get3A_275, %get3A_276] : memref<256x1xf32, #tpu.memory_space<vmem>>, vector<8x1xf32>
      %get3A_278 = arith.constant 216 : index
      %get3A_279 = arith.constant 0 : index
      %get3A_280 = vector.load %arg6[%get3A_278, %get3A_279] : memref<256x4096xf32, #tpu.memory_space<vmem>>, vector<8x4096xf32>
      %mul3A_281 = vector.broadcast %get3A_277 : vector<8x1xf32> to vector<8x4096xf32>
      %mul3A_282 = arith.mulf %mul3A_281, %get3A_280 : vector<8x4096xf32>
      %add3A_283 = arith.addf %add3A_274, %mul3A_282 : vector<8x4096xf32>
      %get3A_284 = arith.constant 224 : index
      %get3A_285 = arith.constant 0 : index
      %get3A_286 = vector.load %arg12[%get3A_284, %get3A_285] : memref<256x1xf32, #tpu.memory_space<vmem>>, vector<8x1xf32>
      %get3A_287 = arith.constant 224 : index
      %get3A_288 = arith.constant 0 : index
      %get3A_289 = vector.load %arg6[%get3A_287, %get3A_288] : memref<256x4096xf32, #tpu.memory_space<vmem>>, vector<8x4096xf32>
      %mul3A_290 = vector.broadcast %get3A_286 : vector<8x1xf32> to vector<8x4096xf32>
      %mul3A_291 = arith.mulf %mul3A_290, %get3A_289 : vector<8x4096xf32>
      %add3A_292 = arith.addf %add3A_283, %mul3A_291 : vector<8x4096xf32>
      %get3A_293 = arith.constant 232 : index
      %get3A_294 = arith.constant 0 : index
      %get3A_295 = vector.load %arg12[%get3A_293, %get3A_294] : memref<256x1xf32, #tpu.memory_space<vmem>>, vector<8x1xf32>
      %get3A_296 = arith.constant 232 : index
      %get3A_297 = arith.constant 0 : index
      %get3A_298 = vector.load %arg6[%get3A_296, %get3A_297] : memref<256x4096xf32, #tpu.memory_space<vmem>>, vector<8x4096xf32>
      %mul3A_299 = vector.broadcast %get3A_295 : vector<8x1xf32> to vector<8x4096xf32>
      %mul3A_300 = arith.mulf %mul3A_299, %get3A_298 : vector<8x4096xf32>
      %add3A_301 = arith.addf %add3A_292, %mul3A_300 : vector<8x4096xf32>
      %get3A_302 = arith.constant 240 : index
      %get3A_303 = arith.constant 0 : index
      %get3A_304 = vector.load %arg12[%get3A_302, %get3A_303] : memref<256x1xf32, #tpu.memory_space<vmem>>, vector<8x1xf32>
      %get3A_305 = arith.constant 240 : index
      %get3A_306 = arith.constant 0 : index
      %get3A_307 = vector.load %arg6[%get3A_305, %get3A_306] : memref<256x4096xf32, #tpu.memory_space<vmem>>, vector<8x4096xf32>
      %mul3A_308 = vector.broadcast %get3A_304 : vector<8x1xf32> to vector<8x4096xf32>
      %mul3A_309 = arith.mulf %mul3A_308, %get3A_307 : vector<8x4096xf32>
      %add3A_310 = arith.addf %add3A_301, %mul3A_309 : vector<8x4096xf32>
      %get3A_311 = arith.constant 248 : index
      %get3A_312 = arith.constant 0 : index
      %get3A_313 = vector.load %arg12[%get3A_311, %get3A_312] : memref<256x1xf32, #tpu.memory_space<vmem>>, vector<8x1xf32>
      %get3A_314 = arith.constant 248 : index
      %get3A_315 = arith.constant 0 : index
      %get3A_316 = vector.load %arg6[%get3A_314, %get3A_315] : memref<256x4096xf32, #tpu.memory_space<vmem>>, vector<8x4096xf32>
      %mul3A_317 = vector.broadcast %get3A_313 : vector<8x1xf32> to vector<8x4096xf32>
      %mul3A_318 = arith.mulf %mul3A_317, %get3A_316 : vector<8x4096xf32>
      %add3A_319 = arith.addf %add3A_310, %mul3A_318 : vector<8x4096xf32>
      %reduce_sum3A = arith.constant dense<0.000000e+00> : vector<4096xf32>
      %reduce_sum3A_320 = vector.multi_reduction <add>, %add3A_319, %reduce_sum3A [0] : vector<8x4096xf32> to vector<4096xf32>
      %broadcast_in_dim3A = vector.shape_cast %reduce_sum3A_320 : vector<4096xf32> to vector<1x4096xf32>
      %get3A_321 = arith.constant 0 : index
      %get3A_322 = arith.constant 0 : index
      %get3A_323 = vector.load %arg7[%get3A_321, %get3A_322] : memref<1x4096xf32, #tpu.memory_space<vmem>>, vector<1x4096xf32>
      %add3A_324 = arith.addf %broadcast_in_dim3A, %get3A_323 : vector<1x4096xf32>
      %mul3A_325 = arith.constant 4096 : i32
      %mul3A_326 = arith.muli %add3A, %mul3A_325 : i32
      %iota3A = tpu.iota {dimensions = array<i32: 1>} : vector<1x4096xi32>
      %add3A_327 = vector.broadcast %mul3A_326 : i32 to vector<1x4096xi32>
      %add3A_328 = arith.addi %add3A_327, %iota3A : vector<1x4096xi32>
      %lt3A_329 = arith.constant 1000000 : i32
      %lt3A_330 = vector.broadcast %lt3A_329 : i32 to vector<1x4096xi32>
      %lt3A_331 = arith.cmpi slt, %add3A_328, %lt3A_330 : vector<1x4096xi32>
      %jit3A = arith.constant 0xFF800000 : f32
      %broadcast_in_dim3A_332 = vector.broadcast %jit3A : f32 to vector<1x4096xf32>
      %select_n3A = arith.select %lt3A_331, %add3A_324, %broadcast_in_dim3A_332 : vector<1x4096xi1>, vector<1x4096xf32>
      %swap3A = arith.constant 0 : index
      %swap3A_333 = arith.constant 0 : index
      %swap3A_334 = vector.load %arg8[%swap3A, %swap3A_333] : memref<1x4096xf32, #tpu.memory_space<vmem>>, vector<1x4096xf32>
      tpu.vector_store %arg8[%swap3A, %swap3A_333], %select_n3A {strides = array<i32>} : memref<1x4096xf32, #tpu.memory_space<vmem>>, vector<1x4096xf32>,
      %get3A_335 = arith.constant 0 : index
      %get3A_336 = arith.constant 0 : index
      %get3A_337 = vector.load %arg13[%get3A_335, %get3A_336] : memref<1x1xf32, #tpu.memory_space<vmem>>, vector<1x1xf32>
      %reduce_max3A = arith.constant dense<0xFF800000> : vector<1xf32>
      %reduce_max3A_338 = vector.multi_reduction <maximumf>, %select_n3A, %reduce_max3A [1] : vector<1x4096xf32> to vector<1xf32>
      %broadcast_in_dim3A_339 = vector.shape_cast %reduce_max3A_338 : vector<1xf32> to vector<1x1xf32>
      %max3A = arith.maximumf %get3A_337, %broadcast_in_dim3A_339 : vector<1x1xf32>
      %get3A_340 = arith.constant 0 : index
      %get3A_341 = arith.constant 0 : index
      %get3A_342 = vector.load %arg14[%get3A_340, %get3A_341] : memref<1x1xf32, #tpu.memory_space<vmem>>, vector<1x1xf32>
      %sub3A_343 = arith.subf %get3A_337, %max3A : vector<1x1xf32>
      %exp3A = math.exp %sub3A_343 : vector<1x1xf32>
      %mul3A_344 = arith.mulf %get3A_342, %exp3A : vector<1x1xf32>
      %sub3A_345 = vector.broadcast %max3A : vector<1x1xf32> to vector<1x4096xf32>
      %sub3A_346 = arith.subf %select_n3A, %sub3A_345 : vector<1x4096xf32>
      %exp3A_347 = math.exp %sub3A_346 : vector<1x4096xf32>
      %reduce_sum3A_348 = arith.constant dense<0.000000e+00> : vector<1xf32>
      %reduce_sum3A_349 = vector.multi_reduction <add>, %exp3A_347, %reduce_sum3A_348 [1] : vector<1x4096xf32> to vector<1xf32>
      %broadcast_in_dim3A_350 = vector.shape_cast %reduce_sum3A_349 : vector<1xf32> to vector<1x1xf32>
      %add3A_351 = arith.addf %mul3A_344, %broadcast_in_dim3A_350 : vector<1x1xf32>
      %swap3A_352 = arith.constant 0 : index
      %swap3A_353 = arith.constant 0 : index
      %swap3A_354 = vector.load %arg14[%swap3A_352, %swap3A_353] : memref<1x1xf32, #tpu.memory_space<vmem>>, vector<1x1xf32>
      tpu.vector_store %arg14[%swap3A_352, %swap3A_353], %add3A_351 {strides = array<i32>} : memref<1x1xf32, #tpu.memory_space<vmem>>, vector<1x1xf32>,
      %swap3A_355 = arith.constant 0 : index
      %swap3A_356 = arith.constant 0 : index
      %swap3A_357 = vector.load %arg13[%swap3A_355, %swap3A_356] : memref<1x1xf32, #tpu.memory_space<vmem>>, vector<1x1xf32>
      tpu.vector_store %arg13[%swap3A_355, %swap3A_356], %max3A {strides = array<i32>} : memref<1x1xf32, #tpu.memory_space<vmem>>, vector<1x1xf32>,
    } else {
    }
    %eq3A_29 = arith.constant 61 : i32
    %eq3A_30 = arith.cmpi eq, %arg1, %eq3A_29 : i32
    %convert_element_type3A_31 = arith.extui %eq3A_30 : i1 to i32
    %cond3A_32 = arith.constant 0 : i32
    %cond3A_33 = arith.cmpi ne, %convert_element_type3A_31, %cond3A_32 : i32
    scf.if %cond3A_33 {
      %get3A = arith.constant 0 : index
      %get3A_34 = arith.constant 0 : index
      %get3A_35 = vector.load %arg13[%get3A, %get3A_34] : memref<1x1xf32, #tpu.memory_space<vmem>>, vector<1x1xf32>
      %broadcast_in_dim3A = vector.shape_cast %get3A_35 : vector<1x1xf32> to vector<1x1xf32>
      %broadcast_in_dim3A_36 = vector.broadcast %broadcast_in_dim3A : vector<1x1xf32> to vector<8x128xf32>
      %swap3A = arith.constant 0 : index
      %swap3A_37 = arith.constant 0 : index
      %swap3A_38 = vector.load %arg9[%swap3A, %swap3A_37] : memref<8x128xf32, #tpu.memory_space<vmem>>, vector<8x128xf32>
      tpu.vector_store %arg9[%swap3A, %swap3A_37], %broadcast_in_dim3A_36 {strides = array<i32>} : memref<8x128xf32, #tpu.memory_space<vmem>>, vector<8x128xf32>,
      %get3A_39 = arith.constant 0 : index
      %get3A_40 = arith.constant 0 : index
      %get3A_41 = vector.load %arg14[%get3A_39, %get3A_40] : memref<1x1xf32, #tpu.memory_space<vmem>>, vector<1x1xf32>
      %broadcast_in_dim3A_42 = vector.shape_cast %get3A_41 : vector<1x1xf32> to vector<1x1xf32>
      %broadcast_in_dim3A_43 = vector.broadcast %broadcast_in_dim3A_42 : vector<1x1xf32> to vector<8x128xf32>
      %swap3A_44 = arith.constant 0 : index
      %swap3A_45 = arith.constant 0 : index
      %swap3A_46 = vector.load %arg10[%swap3A_44, %swap3A_45] : memref<8x128xf32, #tpu.memory_space<vmem>>, vector<8x128xf32>
      tpu.vector_store %arg10[%swap3A_44, %swap3A_45], %broadcast_in_dim3A_43 {strides = array<i32>} : memref<8x128xf32, #tpu.memory_space<vmem>>, vector<8x128xf32>,
    } else {
    }
    return
  }
  func.func @transform_0(%arg0: i32, %arg1: i32) -> (i32, i32) {
    %c0_i32 = arith.constant 0 : i32
    %c0_i32_0 = arith.constant 0 : i32
    %c0_i32_1 = arith.constant 0 : i32
    return %c0_i32, %c0_i32_0 : i32, i32
  }
  func.func @transform_1(%arg0: i32, %arg1: i32) -> (i32, i32) {
    %c0_i32 = arith.constant 0 : i32
    %c0_i32_0 = arith.constant 0 : i32
    %c0_i32_1 = arith.constant 0 : i32
    return %c0_i32, %c0_i32_0 : i32, i32
  }
  func.func @transform_2(%arg0: i32, %arg1: i32) -> (i32, i32) {
    %c0_i32 = arith.constant 0 : i32
    %c0_i32_0 = arith.constant 0 : i32
    %c0_i32_1 = arith.constant 0 : i32
    return %c0_i32, %c0_i32_0 : i32, i32
  }
  func.func @transform_4(%arg0: i32, %arg1: i32) -> (i32, i32) {
    %c0_i32 = arith.constant 0 : i32
    %c244_i32 = arith.constant 244 : i32
    %c0_i32_0 = arith.constant 0 : i32
    return %c0_i32, %c244_i32 : i32, i32
  }
  func.func @transform_5(%arg0: i32, %arg1: i32) -> (i32, i32) {
    %mul3A = arith.constant 62 : i32
    %mul3A_0 = arith.muli %arg0, %mul3A : i32
    %add3A = arith.addi %mul3A_0, %arg1 : i32
    %min3A = arith.constant 244 : i32
    %min3A_1 = arith.minsi %add3A, %min3A : i32
    %c0_i32 = arith.constant 0 : i32
    %c0_i32_2 = arith.constant 0 : i32
    return %c0_i32, %min3A_1 : i32, i32
  }
  func.func @transform_6(%arg0: i32, %arg1: i32) -> (i32, i32) {
    %mul3A = arith.constant 62 : i32
    %mul3A_0 = arith.muli %arg0, %mul3A : i32
    %add3A = arith.addi %mul3A_0, %arg1 : i32
    %min3A = arith.constant 244 : i32
    %min3A_1 = arith.minsi %add3A, %min3A : i32
    %c0_i32 = arith.constant 0 : i32
    %c0_i32_2 = arith.constant 0 : i32
    return %c0_i32, %min3A_1 : i32, i32
  }
  func.func @transform_7(%arg0: i32, %arg1: i32) -> (i32, i32) {
    %c0_i32 = arith.constant 0 : i32
    %c0_i32_0 = arith.constant 0 : i32
    return %arg0, %c0_i32 : i32, i32
  }
  func.func @transform_8(%arg0: i32, %arg1: i32) -> (i32, i32) {
    %c0_i32 = arith.constant 0 : i32
    %c0_i32_0 = arith.constant 0 : i32
    return %arg0, %c0_i32 : i32, i32
  }
}

module attributes {stable_mosaic.version = 14 : i64} {
  func.func @kfn(%arg0: i32, %arg1: memref<1x4096xf32, #tpu.memory_space<vmem>>, %arg2: memref<32x128xf32, #tpu.memory_space<vmem>>, %arg3: memref<32x128xf32, #tpu.memory_space<vmem>>, %arg4: memref<1x4096xf32, #tpu.memory_space<vmem>>) attributes {dimension_semantics = [#tpu.dimension_semantics<parallel>], iteration_bounds = array<i64: 245>, scalar_prefetch = 0 : i64, scratch_operands = 0 : i64, tpu.core_type = #tpu.core_type<tc>, window_params = [{transform_indices = @transform_0, window_bounds = array<i64: 1, 4096>}, {pipeline_mode = #tpu.pipeline_mode<synchronous>, transform_indices = @transform_1, window_bounds = array<i64: 32, 128>}, {pipeline_mode = #tpu.pipeline_mode<synchronous>, transform_indices = @transform_2, window_bounds = array<i64: 32, 128>}, {transform_indices = @transform_3, window_bounds = array<i64: 1, 4096>}]} {
    %get3A = arith.constant 0 : index
    %get3A_0 = arith.constant 0 : index
    %get3A_1 = vector.load %arg2[%get3A, %get3A_0] : memref<32x128xf32, #tpu.memory_space<vmem>>, vector<32x128xf32>
    %get3A_2 = arith.constant 0 : index
    %get3A_3 = arith.constant 0 : index
    %get3A_4 = vector.load %arg3[%get3A_2, %get3A_3] : memref<32x128xf32, #tpu.memory_space<vmem>>, vector<32x128xf32>
    %reduce_max3A = vector.shape_cast %get3A_1 : vector<32x128xf32> to vector<1x32x128xf32>
    %reduce_max3A_5 = arith.constant dense<0xFF800000> : vector<1xf32>
    %reduce_max3A_6 = vector.multi_reduction <maximumf>, %reduce_max3A, %reduce_max3A_5 [1, 2] : vector<1x32x128xf32> to vector<1xf32>
    %reduce_max3A_7 = vector.shape_cast %reduce_max3A_6 : vector<1xf32> to vector<1x1x1xf32>
    %reduce_max3A_8 = vector.extract %reduce_max3A_7[0, 0, 0] : f32 from vector<1x1x1xf32>
    %sub3A = vector.broadcast %reduce_max3A_8 : f32 to vector<32x128xf32>
    %sub3A_9 = arith.subf %get3A_1, %sub3A : vector<32x128xf32>
    %exp3A = math.exp %sub3A_9 : vector<32x128xf32>
    %mul3A = arith.mulf %get3A_4, %exp3A : vector<32x128xf32>
    %reduce_sum3A = vector.shape_cast %mul3A : vector<32x128xf32> to vector<1x32x128xf32>
    %reduce_sum3A_10 = arith.constant dense<0.000000e+00> : vector<1xf32>
    %reduce_sum3A_11 = vector.multi_reduction <add>, %reduce_sum3A, %reduce_sum3A_10 [1, 2] : vector<1x32x128xf32> to vector<1xf32>
    %reduce_sum3A_12 = vector.shape_cast %reduce_sum3A_11 : vector<1xf32> to vector<1x1x1xf32>
    %reduce_sum3A_13 = vector.extract %reduce_sum3A_12[0, 0, 0] : f32 from vector<1x1x1xf32>
    %mul3A_14 = arith.constant 9.765625E-4 : f32
    %mul3A_15 = arith.mulf %reduce_sum3A_13, %mul3A_14 : f32
    %log3A = math.log %mul3A_15 : f32
    %add3A = arith.addf %reduce_max3A_8, %log3A : f32
    %get3A_16 = arith.constant 0 : index
    %get3A_17 = arith.constant 0 : index
    %get3A_18 = vector.load %arg1[%get3A_16, %get3A_17] : memref<1x4096xf32, #tpu.memory_space<vmem>>, vector<1x4096xf32>
    %sub3A_19 = vector.broadcast %add3A : f32 to vector<1x4096xf32>
    %sub3A_20 = arith.subf %get3A_18, %sub3A_19 : vector<1x4096xf32>
    %swap3A = arith.constant 0 : index
    %swap3A_21 = arith.constant 0 : index
    %swap3A_22 = vector.load %arg4[%swap3A, %swap3A_21] : memref<1x4096xf32, #tpu.memory_space<vmem>>, vector<1x4096xf32>
    tpu.vector_store %arg4[%swap3A, %swap3A_21], %sub3A_20 {strides = array<i32>} : memref<1x4096xf32, #tpu.memory_space<vmem>>, vector<1x4096xf32>,
    return
  }
  func.func @transform_0(%arg0: i32) -> (i32, i32) {
    %c0_i32 = arith.constant 0 : i32
    %c0_i32_0 = arith.constant 0 : i32
    return %c0_i32, %arg0 : i32, i32
  }
  func.func @transform_1(%arg0: i32) -> (i32, i32) {
    %c0_i32 = arith.constant 0 : i32
    %c0_i32_0 = arith.constant 0 : i32
    %c0_i32_1 = arith.constant 0 : i32
    return %c0_i32, %c0_i32_0 : i32, i32
  }
  func.func @transform_2(%arg0: i32) -> (i32, i32) {
    %c0_i32 = arith.constant 0 : i32
    %c0_i32_0 = arith.constant 0 : i32
    %c0_i32_1 = arith.constant 0 : i32
    return %c0_i32, %c0_i32_0 : i32, i32
  }
  func.func @transform_3(%arg0: i32) -> (i32, i32) {
    %c0_i32 = arith.constant 0 : i32
    %c0_i32_0 = arith.constant 0 : i32
    return %c0_i32, %arg0 : i32, i32
  }
}

</mosaic_0001>

<sc_bundles>
// kernel: kernel.5.cloned.1.call-start
scs
__scs_entry_jumppad:
0x0: {  	(pc) =	sbr.rel $0x88, $3  }
0x1: {  	(tag) =	ssettag $0x0;
	lr =	simm.s32 $0x1  }
0x2: {  	[smem:$0x3F9B] =	sst lr;
	_ =	strace $0xD0000000  }
0x3: {  	_ = 	snop  }
0x4: {  	_ = 	snop  }
0x5: {  	_ = 	snop  }
0x6: {  	_ = 	snop  }
0x7: {  	_ = 	snop  }
__scs_overlays_trampoline_lowered:
0x8: {  	[smem:$0x3FAA] =	sst s0  }
0x9: {  	[smem:$0x3FAB] =	sst s1  }
0xa: {  	[smem:$0x3FAC] =	sst s2  }
0xb: {  	[smem:$0x3FAD] =	sst s3  }
0xc: {  	[smem:$0x3FAE] =	sst s4  }
0xd: {  	[smem:$0x3FAF] =	sst s5  }
0xe: {  	[smem:$0x3FB0] =	sst s6  }
0xf: {  	[smem:$0x3FB1] =	sst s7  }
0x10: {  	[smem:$0x3FB2] =	sst s8  }
0x11: {  	[smem:$0x3FB3] =	sst s9;
	s0 =	simm.s32 @!p0 $0x0  }
0x12: {  	s1 =	sld [smem:$0x3F99];
	s0 =	simm.s32 @p0 $0x1  }
0x13: {  	[smem:$0x3FB4] =	sst s0;
	s0 =	simm.s32 @!p1 $0x0  }
0x14: {  	s2 =	sld [smem:$0x3F98];
	s0 =	simm.s32 @p1 $0x1  }
0x15: {  	[smem:$0x3FB5] =	sst s0;
	s0 =	simm.s32 @!p2 $0x0  }
0x16: {  	s3 =	sld [smem:$0x3FDB];
	s0 =	simm.s32 @p2 $0x1  }
0x17: {  	s4 =	simm.s32 $0x1BF5;
	[smem:$0x3FB7] =	sst s0  }
0x18: {  	s0 =	sld [smem:$0x3F9A];
	_ =	swait.ge [sflag:s4], $0x0  }
0x19: {  	s7 =	sld [smem:$0x3F9B]  }
0x1a: {  	s8 =	sadd.s32 $0xFFFFE003, lr  }
0x1b: {  	s9 =	sadd.s32 $0xFFFFFEF7, lr;
	s5 =	simm.s32 $0xFFFFFFFF;
	p2 =	slt.u32 s8, $0xFFFFF086  }
0x1c: {  	p1 =	slt.u32 s9, $0xF7A;
	s5 =	simm.s32 @!p2 $0x0  }
0x1d: {  	s5 =	simm.s32 @p1 $0x1;
	p0 =	seq.s32 s7, s2  }
0x1e: {  	s7 =	smul.u32 @!p0 $0xF7A, s2;
	p2 =	seq.s32 @!p0 s5, $0x0  }
0x1f: {  	s9 =	smul.u32 $0xF7A, s1;
	s8 =	simm.s32 @!p0 $0x1BF5;
	p2 =	por !p2, p0  }
0x20: {  	[sflag:s8] =	ssyncset.s32 @!p0 $0xFFFFF086;
	s6 =	sadd.s32 @!p0 s3, s7;
	s7 =	simm.s32 @!p0 $0x108  }
0x21: {  	s3 =	sadd.s32 s3, s9;
	s6 =	sadd.s32 @!p0 $0x88, s6;
	s7 =	simm.s32 @p2 $0x1082  }
0x22: {  	[simem:s7], [sflag:s8] =	dma.local @!p0 [hbm:s6], $0xF7A  }
0x23: {  	s9 =	sor.u32 $0xD0000000, s2;
	s6 =	simm.s32 $0x108;
	_ =	swait.ge @!p0 [sflag:s8], $0x0  }
0x24: {  	s3 =	sadd.s32 $0x88, s3;
	s6 =	simm.s32 @!p1 $0x1082;
	[sflag:s4] =	ssyncset.s32 $0xFFFFF086  }
0x25: {  	[simem:s6], [sflag:s4] =	dma.local [hbm:s3], $0xF7A  }
0x26: {  	[smem:$0x3F9B] =	sst s1;
	(tag) =	ssettag s2;
	_ =	strace s9  }
0x27: {  	s1 =	sld [smem:$0x3FAB]  }
0x28: {  	s2 =	sld [smem:$0x3FAC]  }
0x29: {  	s4 =	sld [smem:$0x3FAE]  }
0x2a: {  	p0 =	seq.s32 s5, $0x0;
	s5 =	sld [smem:$0x3FAF]  }
0x2b: {  	s6 =	sld [smem:$0x3FB0]  }
0x2c: {  	s7 =	sld [smem:$0x3FB1]  }
0x2d: {  	s3 =	simm.s32 $0x108;
	s8 =	sld [smem:$0x3FB2]  }
0x2e: {  	s3 =	simm.s32 @!p0 $0x1082;
	s9 =	sld [smem:$0x3FB3]  }
0x2f: {  	lr =	sadd.s32 s0, s3;
	s0 =	sld [smem:$0x3FAA]  }
0x30: {  	s3 =	sld [smem:$0x3FAD]  }
0x31: {  	[smem:$0x3FB6] =	sst s10  }
0x32: {  	s10 =	sld [smem:$0x3FB4];
	_ =	sdelay $0x3  }
0x33: {  	p0 =	seq.s32 s10, $0x1;
	s10 =	sld [smem:$0x3FB6];
	_ =	sdelay $0x3  }
0x34: {  	[smem:$0x3FB6] =	sst s10  }
0x35: {  	s10 =	sld [smem:$0x3FB5];
	_ =	sdelay $0x3  }
0x36: {  	p1 =	seq.s32 s10, $0x1;
	s10 =	sld [smem:$0x3FB6];
	_ =	sdelay $0x3  }
0x37: {  	[smem:$0x3FB6] =	sst s10  }
0x38: {  	s10 =	sld [smem:$0x3FB7]  }
0x39: {  	_ = 	snop;
	(pc) =	sbr.ind lr, $3  }
0x3a: {  	_ = 	snop  }
0x3b: {  	_ = 	snop  }
0x3c: {  	p2 =	seq.s32 s10, $0x1;
	s10 =	sld [smem:$0x3FB6]  }
0x3d: {  	_ =	shalt  }
0x3e: {  	_ =	shalt  }
0x3f: {  	_ =	shalt  }
0x40: {  	_ =	shalt  }
0x41: {  	_ =	shalt  }
0x42: {  	_ =	shalt  }
0x43: {  	_ =	shalt  }
0x44: {  	_ =	shalt  }
0x45: {  	_ =	shalt  }
0x46: {  	_ =	shalt  }
0x47: {  	_ =	shalt  }
0x48: {  	_ =	shalt  }
0x49: {  	_ =	shalt  }
0x4a: {  	_ =	shalt  }
0x4b: {  	_ =	shalt  }
0x4c: {  	_ =	shalt  }
0x4d: {  	_ =	shalt  }
0x4e: {  	_ =	shalt  }
0x4f: {  	_ =	shalt  }
0x50: {  	_ =	shalt  }
0x51: {  	_ =	shalt  }
0x52: {  	_ =	shalt  }
0x53: {  	_ =	shalt  }
0x54: {  	_ =	shalt  }
0x55: {  	_ =	shalt  }
0x56: {  	_ =	shalt  }
0x57: {  	_ =	shalt  }
0x58: {  	_ =	shalt  }
0x59: {  	_ =	shalt  }
0x5a: {  	_ =	shalt  }
0x5b: {  	_ =	shalt  }
0x5c: {  	_ =	shalt  }
0x5d: {  	_ =	shalt  }
0x5e: {  	_ =	shalt  }
0x5f: {  	_ =	shalt  }
0x60: {  	_ =	shalt  }
0x61: {  	_ =	shalt  }
0x62: {  	_ =	shalt  }
0x63: {  	_ =	shalt  }
0x64: {  	_ =	shalt  }
0x65: {  	_ =	shalt  }
0x66: {  	_ =	shalt  }
0x67: {  	_ =	shalt  }
0x68: {  	_ =	shalt  }
0x69: {  	_ =	shalt  }
0x6a: {  	_ =	shalt  }
0x6b: {  	_ =	shalt  }
0x6c: {  	_ =	shalt  }
0x6d: {  	_ =	shalt  }
0x6e: {  	_ =	shalt  }
0x6f: {  	_ =	shalt  }
0x70: {  	_ =	shalt  }
0x71: {  	_ =	shalt  }
0x72: {  	_ =	shalt  }
0x73: {  	_ =	shalt  }
0x74: {  	_ =	shalt  }
0x75: {  	_ =	shalt  }
0x76: {  	_ =	shalt  }
0x77: {  	_ =	shalt  }
0x78: {  	_ =	shalt  }
0x79: {  	_ =	shalt  }
0x7a: {  	_ =	shalt  }
0x7b: {  	_ =	shalt  }
0x7c: {  	_ =	shalt  }
0x7d: {  	_ =	shalt  }
0x7e: {  	_ =	shalt  }
0x7f: {  	_ =	shalt  }
0x80: {  	_ =	shalt  }
0x81: {  	_ =	shalt  }
0x82: {  	_ =	shalt  }
0x83: {  	_ =	shalt  }
0x84: {  	_ =	shalt  }
0x85: {  	_ =	shalt  }
0x86: {  	_ =	shalt  }
0x87: {  	_ =	shalt  }
.Lfunc_end0:
.L_simem_size_0:
called_computation_lowered:
.L_overlay_start_0:
0x88: {  	s2 =	sld [smem:$0x3FD9]  }
0x89: {  	s3 =	sld [smem:$0x3FFE];
	_ =	sdelay $0x1  }
0x8a: {  	s1 =	srdreg.scid  }
0x8b: {  	s0 =	sand.u32 $0x1, s1  }
0x8c: {  	s17 =	sshll.u32 s0, $0xA;
	s2 =	sadd.s32 s3, s2  }
0x8d: {  	s2 =	sadd.s32 s2, s17  }
0x8e: {  	[smem:$0x3FC2] =	sst s2  }
0x8f: {  	_ = 	snop  }
0x90: {  	s2 =	sld [smem:$0x3FC8];
	(tm) =	ssettm $0x1  }
0x91: {  	s18 =	sld [smem:$0x3FFB];
	_ =	sdelay $0x3  }
0x92: {  	_ =	strace s18  }
0x93: {  	s3 =	sld [smem:$0x3FFC];
	_ =	sdelay $0x3  }
0x94: {  	_ =	strace s3  }
0x95: {  	s3 =	sld [smem:$0x3FFD];
	_ =	sdelay $0x3  }
0x96: {  	_ =	strace s3  }
0x97: {  	_ =	strace $0x8FFFFFFF  }
0x98: {  	s19 =	sld [smem:$0x3FDB];
	_ =	sdelay $0x1  }
0x99: {  	s4 =	simm.s32 $_scs_section_size  }
0x9a: {  	s5 =	simm.s32 $_size__tile_overlayer_lowered;
	s6 =	simm.s32 $_tile_overlayer_lowered  }
0x9b: {  	s22 =	simm.s32 $0x1BFF;
	s21 =	sshll.u32 s6, $0x1;
	s3 =	sadd.s32 s4, s19  }
0x9c: {  	s7 =	simm.s32 $0x0;
	s20 =	sshll.u32 s5, $0x1;
	s5 =	sadd.s32 s21, s3  }
0x9d: {  	[timem:s7], [sflag:s22] =	dma.local [hbm:s5], s20  }
0x9e: {  	_ =	swait.ge [sflag:s22], s20  }
0x9f: {  	s4 =	ssub.s32 $0x0, s20;
	[sflag:s22] =	ssyncset.done $0x0  }
0xa0: {  	[sflag:s22] =	ssyncadd.s32 s4;
	_ =	sdelay $0x1  }
0xa1: {  	s23 =	simm.s32 $0x1B8B  }
0xa2: {  	_ =	swait.ge [sflag:s23], $0x1  }
0xa3: {  	[sflag:s23] =	ssyncset.done $0x0  }
0xa4: {  	s25 =	simm.s32 $0x1B8E;
	s24 =	sld [smem:$0x3FFE];
	[sflag:s23] =	ssyncadd.s32 $0xFFFFFFFF  }
0xa5: {  	s26 =	simm.s32 $execute0_lowered;
	[smem:$0x3FD2] =	sst s25  }
0xa6: {  	s5 =	sshll.u32 s26, $0x1;
	_ =	strace $0x80000046;
	[dreg:$0x1] =	wrdreg $0xFFFFFFFF  }
0xa7: {  	s28 =	simm.s32 $_size_execute0_lowered;
	s3 =	sadd.s32 s3, s5;
	[dreg:$0x0] =	wrdreg $0x0  }
0xa8: {  	s5 =	sshll.u32 s28, $0x1;
	[dreg:$0x2] =	wrdreg s3  }
0xa9: {  	[dreg:$0x3] =	wrdreg s5  }
0xaa: {  	[dreg:$0x4] =	wrdreg $0xC0  }
0xab: {  	_ =	task [dreg:s7], $0x5FFFF  }
0xac: {  	[dreg:$0x1] =	wrdreg $0xFFFFFFFF  }
0xad: {  	[dreg:$0x0] =	wrdreg $0x60  }
0xae: {  	[dreg:$0x2] =	wrdreg s2  }
0xaf: {  	[dreg:$0x3] =	wrdreg s24  }
0xb0: {  	[dreg:$0x4] =	wrdreg $0x9  }
0xb1: {  	_ =	task.clear_ibuf [dreg:s7], $0x5FFFF;
	_ =	strace $0x90000046  }
0xb2: {  	s29 =	simm.s32 $0x9;
	_ =	strace $0x8000004F  }
0xb3: {  	_ =	swait.ge [sflag:s29], $0x1  }
0xb4: {  	[sflag:s29] =	ssyncadd.s32 $0xFFFFFFFF  }
0xb5: {  	_ =	strace $0x9000004F  }
0xb6: {  	_ =	sfence  }
0xb7: {  	s30 =	sld [smem:$0x0];
	_ =	sdelay $0x2  }
0xb8: {  	s31 =	sshll.u32 s1, $0xD;
	s1 =	sshrl.u32 s1, $0x2  }
0xb9: {  	s3 =	sand.u32 $0x4000, s31;
	s1 =	sadd.s32 s1, s30  }
0xba: {  	s0 =	sor.u32 s3, s0;
	s1 =	sshll.u32 s1, $0x11  }
0xbb: {  	s0 =	sor.u32 s1, s0  }
0xbc: {  	s0 =	sadd.s32 $0x8F2B, s0  }
0xbd: {  	[sflag:s0] =	ssyncadd.remote.s32 $0x1  }
0xbe: {  	_ =	sfence.sel $0xFFFF  }
0xbf: {  	[dreg:$0x0] =	wrdreg $0xFFFFFFFF;
	(pc) =	sbr.abs _section_cstart, $3  }
0xc0: {  	[dreg:$0x1] =	wrdreg $0xFFFFFFFF  }
0xc1: {  	_ =	task.clear_ibuf [dreg:s7], $0x2FFFF;
	_ =	strace $0x9FFFFFFF  }
0xc2: {  	(tm) =	ssettm $0x7FFFFFFF  }
0xc3: {  	_ =	shalt  }
tec
execute0_lowered:
.L_overlay_start_1:
0x0: {  	(tag) =	ssettag $0x1  }
0x1: {  	s1 =	stileid.u32  }
0x2: {  	p0 =	sgt.u32 s1, $0x1  }
.Ltmp0:
0x3: {  	_ = 	snop;
	(pc) =	sbr.rel @p0 .LBB2_4-.Ltmp0, $4  }
0x4: {  	s2 =	rddreg [dreg:$0x0]  }
0x5: {  	s9 =	rddreg [dreg:$0x1];
	s3 =	simm.s32 $0x0  }
0x6: {  	[smem:$0x7FF] =	sst s3  }
0x7: {  	s0 =	rddreg [dreg:$0x2];
	_ =	strace $0x80000047  }
0x8: {  	s10 =	smin.u32 s1, $0x2  }
0x9: {  	s4 =	sshll.u32 s10, $0x4  }
0xa: {  	s4 =	sadd.s32 s4, s9  }
0xb: {  	_ =	strace $0x80000048;
	s4 =	sadd.s32 $0x1000, s4  }
0xc: {  	[tilespmem:s3], [sflag:$0x1] =	stream.linear.gather [hbm4b:s4+s3], $0x80, $0x200038;
	[tilespmem:$0x8100] =	vst v63  }
0xd: {  	_ =	strace $0x90000048  }
0xe: {  	s5 =	simm.s32 $0x1;
	_ =	strace $0x8000004A  }
0xf: {  	_ =	swait.ge [sflag:s5], $0x80  }
0x10: {  	[sflag:s5] =	ssyncset.done $0x0  }
0x11: {  	s6 =	simm.s32 $0x80;
	s7 =	simm.s32 $0x100;
	[sflag:s5] =	ssyncadd.s32 $0xFFFFFF80  }
0x12: {  	s8 =	simm.s32 $0x5;
	s11 =	srdreg.scid;
	_ =	strace $0x9000004A  }
0x13: {  	s10 =	sshll.u32 s10, $0xB;
	s30 =	sand.u32 $0x1, s11;
	_ =	strace $0x8000004B  }
0x14: {  	[tilespmem:s7], [sflag:$0x5] =	stream.indirect.gather [hbm4b:s2+s6], $0x80, s3, s6, $0x2000b8;
	[tilespmem:$0x8100] =	vst v63  }
0x15: {  	s29 =	sadd.s32 s10, s9;
	s10 =	ssub.s32 $0x2, s30;
	_ =	swait.ge [sflag:s8], $0x4000  }
0x16: {  	s31 =	sshrl.u32 s10, $0x1;
	[sflag:s8] =	ssyncset.done $0x0  }
0x17: {  	s11 =	ssub.s32 s10, s31;
	[sflag:s8] =	ssyncadd.s32 $0xFFFFC000  }
0x18: {  	s11 =	smax.u32 s11, $0x1;
	_ =	strace $0x9000004B  }
0x19: {  	s9 =	sadd.s32 $0x1200, s29;
	p0 =	sne.s32 s11, $0x1;
	_ =	strace $0x8000004C  }
0x1a: {  	[hbm4b:s9+s3] =	stream.linear.scatter [tilespmem:s7], [sflag:$0x3], $0x4000, $0x200038;
	[tilespmem:$0x8100] =	vst v63  }
.Ltmp1:
0x1b: {  	_ =	strace $0x9000004C;
	(pc) =	sbr.rel @!p0 .LBB2_3-.Ltmp1, $4  }
0x1c: {  	s10 =	simm.s32 $0x3;
	_ =	strace $0x8000004E  }
0x1d: {  	_ =	swait.ge [sflag:s10], $0x4000  }
0x1e: {  	[sflag:s10] =	ssyncset.done $0x0  }
0x1f: {  	s11 =	sadd.s32 $0xFFFFFFFF, s11;
	[sflag:s10] =	ssyncadd.s32 $0xFFFFC000  }
.LBB2_2:
0x20: {  	p0 =	sne.s32 s11, $0x1;
	s11 =	sadd.s32 $0xFFFFFFFF, s11;
	_ =	strace $0x9000004E  }
0x21: {  	_ =	strace $0x80000048  }
0x22: {  	[tilespmem:s3], [sflag:$0x1] =	stream.linear.gather [hbm4b:s4+s3], $0x80, $0x200038;
	[tilespmem:$0x8100] =	vst v63  }
0x23: {  	_ =	strace $0x90000048  }
0x24: {  	_ =	strace $0x8000004A  }
0x25: {  	_ =	swait.ge [sflag:s5], $0x80  }
0x26: {  	[sflag:s5] =	ssyncset.done $0x0  }
0x27: {  	[sflag:s5] =	ssyncadd.s32 $0xFFFFFF80  }
0x28: {  	_ =	strace $0x9000004A  }
0x29: {  	_ =	strace $0x8000004B  }
0x2a: {  	[tilespmem:s7], [sflag:$0x5] =	stream.indirect.gather [hbm4b:s2+s6], $0x80, s3, s6, $0x2000b8;
	[tilespmem:$0x8100] =	vst v63  }
0x2b: {  	_ =	swait.ge [sflag:s8], $0x4000  }
0x2c: {  	[sflag:s8] =	ssyncset.done $0x0  }
0x2d: {  	[sflag:s8] =	ssyncadd.s32 $0xFFFFC000  }
0x2e: {  	_ =	strace $0x9000004B  }
0x2f: {  	_ =	strace $0x8000004C  }
0x30: {  	[hbm4b:s9+s3] =	stream.linear.scatter [tilespmem:s7], [sflag:$0x3], $0x4000, $0x200038;
	[tilespmem:$0x8100] =	vst v63  }
.Ltmp2:
0x31: {  	_ =	strace $0x9000004C;
	(pc) =	sbr.rel @p0 .LBB2_2-.Ltmp2, $4  }
0x32: {  	_ =	strace $0x8000004E  }
0x33: {  	_ =	swait.ge [sflag:s10], $0x4000  }
0x34: {  	[sflag:s10] =	ssyncset.done $0x0  }
0x35: {  	[sflag:s10] =	ssyncadd.s32 $0xFFFFC000  }
.LBB2_3:
0x36: {  	_ =	strace $0x9000004E  }
.LBB2_4:
0x37: {  	_ =	sfence.sel $0x180000  }
0x38: {  	[bflag:$0x0] =	sbarrier.arrive $0xFFFF  }
0x39: {  	p0 =	sne.s32 s1, $0x0;
	_ =	strace $0x90000047  }
0x3a: {  	s0 =	sadd.s32 @!p0 $0x100000, s0;
	[bflag:$0x2] =	sbarrier.arrive $0xFFFF  }
0x3b: {  	[sflag:s0] =	ssyncadd.tile.s32 @!p0 $0x1;
	_ =	shalt  }
.Lfunc_end2:
_tile_overlayer_lowered:
.L_overlay_start_2:
0x3c: {  	(tag) =	ssettag $0x2  }
0x3d: {  	s0 =	rddreg [dreg:$0x0];
	s2 =	stileid.u32  }
0x3e: {  	s1 =	rddreg [dreg:$0x1];
	p0 =	sne.s32 s2, $0x0  }
0x3f: {  	s3 =	rddreg [dreg:$0x2];
	[bflag:$0x3] =	sbarrier.arrive $0xFFFF;
	s2 =	simm.s32 @!p0 $0x1C01  }
0x40: {  	[timem:s3], [sflag:s2] =	dma.local @!p0 [hbm:s0], s1  }
0x41: {  	s0 =	simm.s32 @!p0 $0x1  }
0x42: {  	_ =	swait.ge @!p0 [sflag:s0], s1  }
0x43: {  	s1 =	ssub.s32 @!p0 $0x0, s1;
	[sflag:s0] =	ssyncset.done @!p0 $0x0  }
0x44: {  	[sflag:s0] =	ssyncadd.s32 @!p0 s1  }
0x45: {  	[bflag:$0x3] =	sbarrier.arrive $0xFFFF  }
0x46: {  	_ =	shalt  }

</sc_bundles>
